<compile_context>
chip_gen: v7x
topology: tpu7x:2x2x1
jax: 0.10.2.dev20260603
libtpu: 0.0.44.dev20260713+nightly
codegen_flags: <defaults>
</compile_context>

<pallas_src>
import functools

import jax
import jax.numpy as jnp
from jax import lax
from jax.experimental import pallas as pl
from jax.experimental.pallas import tpu as pltpu
from jax.experimental.pallas import tpu_sc as plsc

N_NODES = 10000
N_EDGES = 320000
D = 128

NODES_PAD = 10112
TRASH_ROW = 10100
CHUNK = 128
NC = 2
NS = 16
NW = NC * NS
ROWS_PER_TILE = NODES_PAD // NS

CHUNKS_PER_TILE = 80
N_CHUNKS = NW * CHUNKS_PER_TILE
EDGES_PAD = N_CHUNKS * CHUNK
NBUF = 2


def _sc_segment_sum(x, src2, dst2, zrow, zdeg, ones):
    mesh = plsc.VectorSubcoreMesh(core_axis_name="c", subcore_axis_name="s")

    @functools.partial(
        pl.kernel,
        mesh=mesh,
        compiler_params=pltpu.CompilerParams(use_tc_tiling_on_sc=False),
        out_type=[
            jax.ShapeDtypeStruct((NC, NODES_PAD, D), jnp.float32),
            jax.ShapeDtypeStruct((NC, NODES_PAD, 16), jnp.float32),
        ],
        scratch_types=(
            [pltpu.VMEM((CHUNK,), jnp.int32) for _ in range(NBUF)]
            + [pltpu.VMEM((1, CHUNK), jnp.int32) for _ in range(NBUF)]
            + [pltpu.VMEM((CHUNK, D), jnp.float32) for _ in range(NBUF)]
            + [
                pltpu.VMEM((CHUNK, 16), jnp.float32),
                pltpu.VMEM_SHARED((NODES_PAD, D), jnp.float32),
                pltpu.VMEM_SHARED((NODES_PAD, 16), jnp.float32),
            ]
            + [pltpu.SemaphoreType.DMA for _ in range(3 * NBUF)]
        ),
    )
    def seg_kernel(x_hbm, src_hbm, dst_hbm, zrow_hbm, zdeg_hbm, ones_hbm,
                   pooled_hbm, deg_hbm, *refs):
        src_r = refs[0:NBUF]
        dst_r = refs[NBUF:2 * NBUF]
        buf_r = refs[2 * NBUF:3 * NBUF]
        ones_v = refs[3 * NBUF]
        accum_sh = refs[3 * NBUF + 1]
        deg_sh = refs[3 * NBUF + 2]
        gsem = refs[3 * NBUF + 3:4 * NBUF + 3]
        ssem = refs[4 * NBUF + 3:5 * NBUF + 3]
        dsem = refs[5 * NBUF + 3:6 * NBUF + 3]
        buf_a = buf_r[0]
        cid = lax.axis_index("c")
        sid = lax.axis_index("s")
        wid = sid * NC + cid

        r0 = sid * ROWS_PER_TILE
        pltpu.sync_copy(zrow_hbm, accum_sh.at[pl.ds(r0, ROWS_PER_TILE)])
        pltpu.sync_copy(zdeg_hbm, deg_sh.at[pl.ds(r0, ROWS_PER_TILE)])
        pltpu.sync_copy(ones_hbm, ones_v)
        e_base = wid * CHUNKS_PER_TILE * CHUNK
        plsc.subcore_barrier()

        def load_idx(k, i):
            e0 = e_base + k * CHUNK
            pltpu.sync_copy(src_hbm.at[pl.ds(e0, CHUNK)], src_r[i])
            pltpu.sync_copy(dst_hbm.at[pl.ds(e0, CHUNK)], dst_r[i].at[0])

        def gather(i):
            pltpu.make_async_copy(x_hbm.at[src_r[i]], buf_r[i], gsem[i]).start()

        def gwait(i):
            pltpu.make_async_copy(x_hbm.at[src_r[0]], buf_r[i], gsem[i]).wait()

        def scatter_start(i):
            pltpu.make_async_copy(
                buf_r[i], accum_sh.at[dst_r[i].at[0]], ssem[i]
            ).start(add=True)
            pltpu.make_async_copy(
                ones_v, deg_sh.at[dst_r[i].at[0]], dsem[i]
            ).start(add=True)

        def scatter_wait(i):
            pltpu.make_async_copy(
                buf_r[i], accum_sh.at[dst_r[i].at[0]], ssem[i]
            ).wait()
            pltpu.make_async_copy(
                ones_v, deg_sh.at[dst_r[i].at[0]], dsem[i]
            ).wait()

        for i in range(NBUF):
            load_idx(i, i)
            gather(i)

        def body(j, carry):
            k0 = NBUF * j
            for i in range(NBUF):
                gwait(i)
                scatter_start(i)

            @pl.when(j < CHUNKS_PER_TILE // NBUF - 1)
            def _():
                for i in range(NBUF):
                    scatter_wait(i)
                    load_idx(k0 + NBUF + i, i)
                    gather(i)

            @pl.when(j == CHUNKS_PER_TILE // NBUF - 1)
            def _():
                for i in range(NBUF):
                    scatter_wait(i)

            return carry

        lax.fori_loop(0, CHUNKS_PER_TILE // NBUF, body, 0)
        plsc.subcore_barrier()

        pltpu.sync_copy(accum_sh.at[pl.ds(r0, ROWS_PER_TILE)],
                        pooled_hbm.at[cid, pl.ds(r0, ROWS_PER_TILE)])
        pltpu.sync_copy(deg_sh.at[pl.ds(r0, ROWS_PER_TILE)],
                        deg_hbm.at[cid, pl.ds(r0, ROWS_PER_TILE)])

    return seg_kernel(x, src2, dst2, zrow, zdeg, ones)


def _tc_combine_body(p0, p1, d0, d1, x, we, ws, b, out):
    pooled = p0[...] + p1[...]
    e = jnp.dot(pooled, we[...], preferred_element_type=jnp.float32)
    s = jnp.dot(x[...], ws[...], preferred_element_type=jnp.float32)
    denom = d0[:, 0:1] + d1[:, 0:1] + 1.0
    out[...] = jnp.maximum((e + s) / denom + b[...], 0.0)


def kernel(x, edge_index, W_edge, W_self, b):
    src = edge_index[0]
    dst = edge_index[1]
    pad = EDGES_PAD - N_EDGES
    pad_idx = jnp.arange(pad, dtype=jnp.int32)
    src2 = jnp.concatenate([src, pad_idx % N_NODES])
    dst2 = jnp.concatenate([dst, N_NODES + pad_idx % (NODES_PAD - N_NODES)])
    zrow = jnp.zeros((ROWS_PER_TILE, D), jnp.float32)
    zdeg = jnp.zeros((ROWS_PER_TILE, 16), jnp.float32)
    ones = jnp.ones((CHUNK, 16), jnp.float32)

    pooled, deg = _sc_segment_sum(x, src2, dst2, zrow, zdeg, ones)

    blk = 256
    grid = (N_NODES + blk - 1) // blk
    out = pl.pallas_call(
        _tc_combine_body,
        grid=(grid,),
        in_specs=[
            pl.BlockSpec((blk, D), lambda i: (i, 0)),
            pl.BlockSpec((blk, D), lambda i: (i, 0)),
            pl.BlockSpec((blk, 16), lambda i: (i, 0)),
            pl.BlockSpec((blk, 16), lambda i: (i, 0)),
            pl.BlockSpec((blk, D), lambda i: (i, 0)),
            pl.BlockSpec((D, D), lambda i: (0, 0)),
            pl.BlockSpec((D, D), lambda i: (0, 0)),
            pl.BlockSpec((1, D), lambda i: (0, 0)),
        ],
        out_specs=pl.BlockSpec((blk, D), lambda i: (i, 0)),
        out_shape=jax.ShapeDtypeStruct((N_NODES, D), jnp.float32),
    )(pooled[0], pooled[1], deg[0], deg[1], x, W_edge, W_self, b.reshape(1, D))
    return out

# --- scband reference (transcript-rebuilt; emitter-appended) ---
"""Pipeline reference for scband-gcngraph-sagenode-set-update-14199161880653 (READ-ONLY COPY).

The authoritative reference and input builder live on the scoring server;
editing this copy changes nothing except your own understanding.
"""

import jax, jax.numpy as jnp
import numpy as np

N_NODES = 10000
N_EDGES = 320000
D_FEAT = 128
UNITS = 128


def setup_inputs(seed: int = 0) -> dict:
    key = jax.random.key(seed)
    k1, k2, k3, k4 = jax.random.split(key, 4)
    x = jax.random.normal(k1, (N_NODES, D_FEAT), dtype=jnp.float32)
    edge_index = jax.random.randint(k2, (2, N_EDGES), 0, N_NODES, dtype=jnp.int32)
    # learned parameters sized per init_kwargs (units=128, one edge set, self-loop transform, bias)
    W_edge = jax.random.normal(k3, (D_FEAT, UNITS), dtype=jnp.float32) * (1.0 / np.sqrt(D_FEAT))
    W_self = jax.random.normal(k4, (D_FEAT, UNITS), dtype=jnp.float32) * (1.0 / np.sqrt(D_FEAT))
    b = jnp.zeros((UNITS,), dtype=jnp.float32)
    return {"x": x, "edge_index": edge_index, "W_edge": W_edge, "W_self": W_self, "b": b}


def reference(x, edge_index, W_edge, W_self, b):
    # GCNGraphSAGENodeSetUpdate with one edge set, receiver_tag=TARGET, reduce_type='mean',
    # add_self_loop=True, share_weights=False, use_bias=True, activation='relu', dropout=0 (inference).
    n_nodes = x.shape[0]
    src = edge_index[0]
    dst = edge_index[1]
    # broadcast sender node states along edges (gather), sum-pool to receiver (scatter-add)
    msgs = jnp.take(x, src, axis=0)
    pooled_sum = jax.ops.segment_sum(msgs, dst, num_segments=n_nodes)
    # in-degrees per receiver node for this edge set
    deg = jax.ops.segment_sum(jnp.ones((edge_index.shape[1],), dtype=x.dtype), dst, num_segments=n_nodes)
    # per-edge-set linear transform (linear, so transform-after-sum == sum-of-transformed)
    edge_term = pooled_sum @ W_edge
    # self-loop transform
    self_term = x @ W_self
    total = edge_term + self_term
    # mean reduce: divide by (sum of in-degrees + 1 for the self loop)
    denom = deg + jnp.asarray(1.0, dtype=x.dtype)
    out = total / denom[:, None]
    out = out + b
    return jax.nn.relu(out)

if __name__ == "__main__":
    import jax
    _d = setup_inputs()
    print(jax.jit(kernel)(*tuple(_d.values())))

</pallas_src>

<mosaic_0001>
#map = affine_map<(d0, d1) -> (0, 0)>
#map1 = affine_map<(d0, d1) -> (0)>
#map2 = affine_map<(d0, d1) -> (0, 0, 0)>
module attributes {stable_mosaic.version = 14 : i64} {
  func.func @seg_kernel(%arg0: i32, %arg1: i32, %arg2: memref<10000x128xf32, #tpu.memory_space<hbm>>, %arg3: memref<327680xi32, #tpu.memory_space<hbm>>, %arg4: memref<327680xi32, #tpu.memory_space<hbm>>, %arg5: memref<632x128xf32, #tpu.memory_space<hbm>>, %arg6: memref<632x16xf32, #tpu.memory_space<hbm>>, %arg7: memref<128x16xf32, #tpu.memory_space<hbm>>, %arg8: memref<2x10112x128xf32, #tpu.memory_space<hbm>>, %arg9: memref<2x10112x16xf32, #tpu.memory_space<hbm>>, %arg10: memref<128xi32, #tpu.memory_space<vmem>>, %arg11: memref<128xi32, #tpu.memory_space<vmem>>, %arg12: memref<1x128xi32, #tpu.memory_space<vmem>>, %arg13: memref<1x128xi32, #tpu.memory_space<vmem>>, %arg14: memref<128x128xf32, #tpu.memory_space<vmem>>, %arg15: memref<128x128xf32, #tpu.memory_space<vmem>>, %arg16: memref<128x16xf32, #tpu.memory_space<vmem>>, %arg17: memref<10112x128xf32, #tpu.memory_space<vmem_shared>>, %arg18: memref<10112x16xf32, #tpu.memory_space<vmem_shared>>, %arg19: memref<!tpu.dma_semaphore, #tpu.memory_space<semaphore_mem>>, %arg20: memref<!tpu.dma_semaphore, #tpu.memory_space<semaphore_mem>>, %arg21: memref<!tpu.dma_semaphore, #tpu.memory_space<semaphore_mem>>, %arg22: memref<!tpu.dma_semaphore, #tpu.memory_space<semaphore_mem>>, %arg23: memref<!tpu.dma_semaphore, #tpu.memory_space<semaphore_mem>>, %arg24: memref<!tpu.dma_semaphore, #tpu.memory_space<semaphore_mem>>) attributes {dimension_semantics = [#tpu.dimension_semantics<core_parallel>, #tpu.dimension_semantics<subcore_parallel>], iteration_bounds = array<i64: 2, 16>, scalar_prefetch = 0 : i64, scratch_operands = 15 : i64, tpu.core_type = #tpu.core_type<sc_vector_subcore>, window_params = [{transform_indices = #map}, {transform_indices = #map1}, {transform_indices = #map1}, {transform_indices = #map}, {transform_indices = #map}, {transform_indices = #map}, {transform_indices = #map2}, {transform_indices = #map2}]} {
    %mul3A = arith.constant 2 : i32
    %mul3A_0 = arith.muli %arg1, %mul3A : i32
    %add3A = arith.addi %mul3A_0, %arg0 : i32
    %mul3A_1 = arith.constant 632 : i32
    %mul3A_2 = arith.muli %arg1, %mul3A_1 : i32
    "tpu.region"() ({
      %run_scoped3A_23 = tpu.sem_alloc : memref<!tpu.dma_semaphore, #tpu.memory_space<semaphore_mem>>
      %dma_start3A_24 = arith.constant 0 : i32
      %dma_start3A_25 = tpu.memref_slice %arg17[%mul3A_2, %dma_start3A_24] : memref<10112x128xf32, #tpu.memory_space<vmem_shared>> -> memref<632x128xf32, #tpu.memory_space<vmem_shared>>
      tpu.enqueue_dma source(%arg5 : memref<632x128xf32, #tpu.memory_space<hbm>>) target(%dma_start3A_25 : memref<632x128xf32, #tpu.memory_space<vmem_shared>>) target_semaphore(%run_scoped3A_23 : memref<!tpu.dma_semaphore, #tpu.memory_space<semaphore_mem>>)
      %dma_wait3A = arith.constant 0 : i32
      %dma_wait3A_26 = tpu.memref_slice %arg17[%mul3A_2, %dma_wait3A] : memref<10112x128xf32, #tpu.memory_space<vmem_shared>> -> memref<632x128xf32, #tpu.memory_space<vmem_shared>>
      tpu.wait_dma2 semaphore(%run_scoped3A_23 : memref<!tpu.dma_semaphore, #tpu.memory_space<semaphore_mem>>) src(%arg5 : memref<632x128xf32, #tpu.memory_space<hbm>>) dst(%dma_wait3A_26 : memref<632x128xf32, #tpu.memory_space<vmem_shared>>)
      tpu.yield
    }) : () -> ()
    "tpu.region"() ({
      %run_scoped3A_23 = tpu.sem_alloc : memref<!tpu.dma_semaphore, #tpu.memory_space<semaphore_mem>>
      %dma_start3A_24 = arith.constant 0 : i32
      %dma_start3A_25 = tpu.memref_slice %arg18[%mul3A_2, %dma_start3A_24] : memref<10112x16xf32, #tpu.memory_space<vmem_shared>> -> memref<632x16xf32, #tpu.memory_space<vmem_shared>>
      tpu.enqueue_dma source(%arg6 : memref<632x16xf32, #tpu.memory_space<hbm>>) target(%dma_start3A_25 : memref<632x16xf32, #tpu.memory_space<vmem_shared>>) target_semaphore(%run_scoped3A_23 : memref<!tpu.dma_semaphore, #tpu.memory_space<semaphore_mem>>)
      %dma_wait3A = arith.constant 0 : i32
      %dma_wait3A_26 = tpu.memref_slice %arg18[%mul3A_2, %dma_wait3A] : memref<10112x16xf32, #tpu.memory_space<vmem_shared>> -> memref<632x16xf32, #tpu.memory_space<vmem_shared>>
      tpu.wait_dma2 semaphore(%run_scoped3A_23 : memref<!tpu.dma_semaphore, #tpu.memory_space<semaphore_mem>>) src(%arg6 : memref<632x16xf32, #tpu.memory_space<hbm>>) dst(%dma_wait3A_26 : memref<632x16xf32, #tpu.memory_space<vmem_shared>>)
      tpu.yield
    }) : () -> ()
    "tpu.region"() ({
      %run_scoped3A_23 = tpu.sem_alloc : memref<!tpu.dma_semaphore, #tpu.memory_space<semaphore_mem>>
      tpu.enqueue_dma source(%arg7 : memref<128x16xf32, #tpu.memory_space<hbm>>) target(%arg16 : memref<128x16xf32, #tpu.memory_space<vmem>>) target_semaphore(%run_scoped3A_23 : memref<!tpu.dma_semaphore, #tpu.memory_space<semaphore_mem>>)
      tpu.wait_dma2 semaphore(%run_scoped3A_23 : memref<!tpu.dma_semaphore, #tpu.memory_space<semaphore_mem>>) src(%arg7 : memref<128x16xf32, #tpu.memory_space<hbm>>) dst(%arg16 : memref<128x16xf32, #tpu.memory_space<vmem>>)
      tpu.yield
    }) : () -> ()
    %mul3A_3 = arith.constant 80 : i32
    %mul3A_4 = arith.muli %add3A, %mul3A_3 : i32
    %mul3A_5 = arith.constant 128 : i32
    %mul3A_6 = arith.muli %mul3A_4, %mul3A_5 : i32
    %barrier3A = arith.constant 0 : index
    tpu.barrier barrier_id(%barrier3A)
    %add3A_7 = arith.constant 0 : i32
    %add3A_8 = arith.addi %mul3A_6, %add3A_7 : i32
    "tpu.region"() ({
      %run_scoped3A_23 = tpu.sem_alloc : memref<!tpu.dma_semaphore, #tpu.memory_space<semaphore_mem>>
      %dma_start3A_24 = tpu.memref_slice %arg3[%add3A_8] : memref<327680xi32, #tpu.memory_space<hbm>> -> memref<128xi32, #tpu.memory_space<hbm>>
      %dma_start3A_25 = tpu.memref_slice %arg3[%add3A_8] : memref<327680xi32, #tpu.memory_space<hbm>> -> memref<128xi32, #tpu.memory_space<hbm>>
      tpu.enqueue_dma source(%dma_start3A_25 : memref<128xi32, #tpu.memory_space<hbm>>) target(%arg10 : memref<128xi32, #tpu.memory_space<vmem>>) target_semaphore(%run_scoped3A_23 : memref<!tpu.dma_semaphore, #tpu.memory_space<semaphore_mem>>)
      %dma_wait3A = tpu.memref_slice %arg3[%add3A_8] : memref<327680xi32, #tpu.memory_space<hbm>> -> memref<128xi32, #tpu.memory_space<hbm>>
      %dma_wait3A_26 = tpu.memref_slice %arg3[%add3A_8] : memref<327680xi32, #tpu.memory_space<hbm>> -> memref<128xi32, #tpu.memory_space<hbm>>
      tpu.wait_dma2 semaphore(%run_scoped3A_23 : memref<!tpu.dma_semaphore, #tpu.memory_space<semaphore_mem>>) src(%dma_wait3A_26 : memref<128xi32, #tpu.memory_space<hbm>>) dst(%arg10 : memref<128xi32, #tpu.memory_space<vmem>>)
      tpu.yield
    }) : () -> ()
    %run_scoped3A = arith.constant 0 : i32
    "tpu.region"() ({
      %run_scoped3A_23 = tpu.sem_alloc : memref<!tpu.dma_semaphore, #tpu.memory_space<semaphore_mem>>
      %dma_start3A_24 = arith.constant 0 : i32
      %dma_start3A_25 = tpu.memref_slice %arg12[%run_scoped3A, %dma_start3A_24] : memref<1x128xi32, #tpu.memory_space<vmem>> -> memref<1x128xi32, #tpu.memory_space<vmem>>
      %dma_start3A_26 = tpu.memref_squeeze %dma_start3A_25 : memref<1x128xi32, #tpu.memory_space<vmem>> -> memref<128xi32, #tpu.memory_space<vmem>>
      %dma_start3A_27 = tpu.memref_slice %arg4[%add3A_8] : memref<327680xi32, #tpu.memory_space<hbm>> -> memref<128xi32, #tpu.memory_space<hbm>>
      %dma_start3A_28 = arith.constant 0 : i32
      %dma_start3A_29 = tpu.memref_slice %arg12[%run_scoped3A, %dma_start3A_28] : memref<1x128xi32, #tpu.memory_space<vmem>> -> memref<1x128xi32, #tpu.memory_space<vmem>>
      %dma_start3A_30 = tpu.memref_squeeze %dma_start3A_29 : memref<1x128xi32, #tpu.memory_space<vmem>> -> memref<128xi32, #tpu.memory_space<vmem>>
      %dma_start3A_31 = tpu.memref_slice %arg4[%add3A_8] : memref<327680xi32, #tpu.memory_space<hbm>> -> memref<128xi32, #tpu.memory_space<hbm>>
      tpu.enqueue_dma source(%dma_start3A_31 : memref<128xi32, #tpu.memory_space<hbm>>) target(%dma_start3A_30 : memref<128xi32, #tpu.memory_space<vmem>>) target_semaphore(%run_scoped3A_23 : memref<!tpu.dma_semaphore, #tpu.memory_space<semaphore_mem>>)
      %dma_wait3A = arith.constant 0 : i32
      %dma_wait3A_32 = tpu.memref_slice %arg12[%run_scoped3A, %dma_wait3A] : memref<1x128xi32, #tpu.memory_space<vmem>> -> memref<1x128xi32, #tpu.memory_space<vmem>>
      %dma_wait3A_33 = tpu.memref_squeeze %dma_wait3A_32 : memref<1x128xi32, #tpu.memory_space<vmem>> -> memref<128xi32, #tpu.memory_space<vmem>>
      %dma_wait3A_34 = tpu.memref_slice %arg4[%add3A_8] : memref<327680xi32, #tpu.memory_space<hbm>> -> memref<128xi32, #tpu.memory_space<hbm>>
      %dma_wait3A_35 = arith.constant 0 : i32
      %dma_wait3A_36 = tpu.memref_slice %arg12[%run_scoped3A, %dma_wait3A_35] : memref<1x128xi32, #tpu.memory_space<vmem>> -> memref<1x128xi32, #tpu.memory_space<vmem>>
      %dma_wait3A_37 = tpu.memref_squeeze %dma_wait3A_36 : memref<1x128xi32, #tpu.memory_space<vmem>> -> memref<128xi32, #tpu.memory_space<vmem>>
      %dma_wait3A_38 = tpu.memref_slice %arg4[%add3A_8] : memref<327680xi32, #tpu.memory_space<hbm>> -> memref<128xi32, #tpu.memory_space<hbm>>
      tpu.wait_dma2 semaphore(%run_scoped3A_23 : memref<!tpu.dma_semaphore, #tpu.memory_space<semaphore_mem>>) src(%dma_wait3A_38 : memref<128xi32, #tpu.memory_space<hbm>>) dst(%dma_wait3A_37 : memref<128xi32, #tpu.memory_space<vmem>>)
      tpu.yield
    }) : () -> ()
    %dma_start3A = arith.constant 0 : i32
    %dma_start3A_9 = arith.constant 0 : i32
    %dma_start3A_10 = tpu.memref_slice %arg2[%dma_start3A, %dma_start3A_9] : memref<10000x128xf32, #tpu.memory_space<hbm>> -> memref<10000x128xf32, #tpu.memory_space<hbm>>
    tpu.enqueue_indirect_dma source(%dma_start3A_10 : memref<10000x128xf32, #tpu.memory_space<hbm>>) target(%arg14 : memref<128x128xf32, #tpu.memory_space<vmem>>) offsets(%arg10 : memref<128xi32, #tpu.memory_space<vmem>>) semaphore(%arg19 : memref<!tpu.dma_semaphore, #tpu.memory_space<semaphore_mem>>)
    %add3A_11 = arith.constant 128 : i32
    %add3A_12 = arith.addi %mul3A_6, %add3A_11 : i32
    "tpu.region"() ({
      %run_scoped3A_23 = tpu.sem_alloc : memref<!tpu.dma_semaphore, #tpu.memory_space<semaphore_mem>>
      %dma_start3A_24 = tpu.memref_slice %arg3[%add3A_12] : memref<327680xi32, #tpu.memory_space<hbm>> -> memref<128xi32, #tpu.memory_space<hbm>>
      %dma_start3A_25 = tpu.memref_slice %arg3[%add3A_12] : memref<327680xi32, #tpu.memory_space<hbm>> -> memref<128xi32, #tpu.memory_space<hbm>>
      tpu.enqueue_dma source(%dma_start3A_25 : memref<128xi32, #tpu.memory_space<hbm>>) target(%arg11 : memref<128xi32, #tpu.memory_space<vmem>>) target_semaphore(%run_scoped3A_23 : memref<!tpu.dma_semaphore, #tpu.memory_space<semaphore_mem>>)
      %dma_wait3A = tpu.memref_slice %arg3[%add3A_12] : memref<327680xi32, #tpu.memory_space<hbm>> -> memref<128xi32, #tpu.memory_space<hbm>>
      %dma_wait3A_26 = tpu.memref_slice %arg3[%add3A_12] : memref<327680xi32, #tpu.memory_space<hbm>> -> memref<128xi32, #tpu.memory_space<hbm>>
      tpu.wait_dma2 semaphore(%run_scoped3A_23 : memref<!tpu.dma_semaphore, #tpu.memory_space<semaphore_mem>>) src(%dma_wait3A_26 : memref<128xi32, #tpu.memory_space<hbm>>) dst(%arg11 : memref<128xi32, #tpu.memory_space<vmem>>)
      tpu.yield
    }) : () -> ()
    %run_scoped3A_13 = arith.constant 0 : i32
    "tpu.region"() ({
      %run_scoped3A_23 = tpu.sem_alloc : memref<!tpu.dma_semaphore, #tpu.memory_space<semaphore_mem>>
      %dma_start3A_24 = arith.constant 0 : i32
      %dma_start3A_25 = tpu.memref_slice %arg13[%run_scoped3A_13, %dma_start3A_24] : memref<1x128xi32, #tpu.memory_space<vmem>> -> memref<1x128xi32, #tpu.memory_space<vmem>>
      %dma_start3A_26 = tpu.memref_squeeze %dma_start3A_25 : memref<1x128xi32, #tpu.memory_space<vmem>> -> memref<128xi32, #tpu.memory_space<vmem>>
      %dma_start3A_27 = tpu.memref_slice %arg4[%add3A_12] : memref<327680xi32, #tpu.memory_space<hbm>> -> memref<128xi32, #tpu.memory_space<hbm>>
      %dma_start3A_28 = arith.constant 0 : i32
      %dma_start3A_29 = tpu.memref_slice %arg13[%run_scoped3A_13, %dma_start3A_28] : memref<1x128xi32, #tpu.memory_space<vmem>> -> memref<1x128xi32, #tpu.memory_space<vmem>>
      %dma_start3A_30 = tpu.memref_squeeze %dma_start3A_29 : memref<1x128xi32, #tpu.memory_space<vmem>> -> memref<128xi32, #tpu.memory_space<vmem>>
      %dma_start3A_31 = tpu.memref_slice %arg4[%add3A_12] : memref<327680xi32, #tpu.memory_space<hbm>> -> memref<128xi32, #tpu.memory_space<hbm>>
      tpu.enqueue_dma source(%dma_start3A_31 : memref<128xi32, #tpu.memory_space<hbm>>) target(%dma_start3A_30 : memref<128xi32, #tpu.memory_space<vmem>>) target_semaphore(%run_scoped3A_23 : memref<!tpu.dma_semaphore, #tpu.memory_space<semaphore_mem>>)
      %dma_wait3A = arith.constant 0 : i32
      %dma_wait3A_32 = tpu.memref_slice %arg13[%run_scoped3A_13, %dma_wait3A] : memref<1x128xi32, #tpu.memory_space<vmem>> -> memref<1x128xi32, #tpu.memory_space<vmem>>
      %dma_wait3A_33 = tpu.memref_squeeze %dma_wait3A_32 : memref<1x128xi32, #tpu.memory_space<vmem>> -> memref<128xi32, #tpu.memory_space<vmem>>
      %dma_wait3A_34 = tpu.memref_slice %arg4[%add3A_12] : memref<327680xi32, #tpu.memory_space<hbm>> -> memref<128xi32, #tpu.memory_space<hbm>>
      %dma_wait3A_35 = arith.constant 0 : i32
      %dma_wait3A_36 = tpu.memref_slice %arg13[%run_scoped3A_13, %dma_wait3A_35] : memref<1x128xi32, #tpu.memory_space<vmem>> -> memref<1x128xi32, #tpu.memory_space<vmem>>
      %dma_wait3A_37 = tpu.memref_squeeze %dma_wait3A_36 : memref<1x128xi32, #tpu.memory_space<vmem>> -> memref<128xi32, #tpu.memory_space<vmem>>
      %dma_wait3A_38 = tpu.memref_slice %arg4[%add3A_12] : memref<327680xi32, #tpu.memory_space<hbm>> -> memref<128xi32, #tpu.memory_space<hbm>>
      tpu.wait_dma2 semaphore(%run_scoped3A_23 : memref<!tpu.dma_semaphore, #tpu.memory_space<semaphore_mem>>) src(%dma_wait3A_38 : memref<128xi32, #tpu.memory_space<hbm>>) dst(%dma_wait3A_37 : memref<128xi32, #tpu.memory_space<vmem>>)
      tpu.yield
    }) : () -> ()
    %dma_start3A_14 = arith.constant 0 : i32
    %dma_start3A_15 = arith.constant 0 : i32
    %dma_start3A_16 = tpu.memref_slice %arg2[%dma_start3A_14, %dma_start3A_15] : memref<10000x128xf32, #tpu.memory_space<hbm>> -> memref<10000x128xf32, #tpu.memory_space<hbm>>
    tpu.enqueue_indirect_dma source(%dma_start3A_16 : memref<10000x128xf32, #tpu.memory_space<hbm>>) target(%arg15 : memref<128x128xf32, #tpu.memory_space<vmem>>) offsets(%arg11 : memref<128xi32, #tpu.memory_space<vmem>>) semaphore(%arg20 : memref<!tpu.dma_semaphore, #tpu.memory_space<semaphore_mem>>)
    %scan3A = arith.constant 0 : i32
    %scan3A_17 = arith.constant 0 : i32
    %scan3A_18 = arith.constant 40 : i32
    %scan3A_19 = arith.addi %scan3A_17, %scan3A_18 : i32
    %scan3A_20 = arith.constant 1 : i32
    scf.for %scan3A_23 = %scan3A_17 to %scan3A_19 step %scan3A_20  : i32 {
      %mul3A_24 = arith.constant 2 : i32
      %mul3A_25 = arith.muli %mul3A_24, %scan3A_23 : i32
      %dma_wait3A = arith.constant 0 : i32
      %dma_wait3A_26 = arith.constant 0 : i32
      %dma_wait3A_27 = tpu.memref_slice %arg2[%dma_wait3A, %dma_wait3A_26] : memref<10000x128xf32, #tpu.memory_space<hbm>> -> memref<10000x128xf32, #tpu.memory_space<hbm>>
      tpu.wait_indirect_dma semaphore(%arg19 : memref<!tpu.dma_semaphore, #tpu.memory_space<semaphore_mem>>) src(%dma_wait3A_27 : memref<10000x128xf32, #tpu.memory_space<hbm>>) dst(%arg14 : memref<128x128xf32, #tpu.memory_space<vmem>>)
      %dma_start3A_28 = arith.constant 0 : i32
      %dma_start3A_29 = arith.constant 0 : i32
      %dma_start3A_30 = tpu.memref_slice %arg12[%dma_start3A_28, %dma_start3A_29] : memref<1x128xi32, #tpu.memory_space<vmem>> -> memref<1x128xi32, #tpu.memory_space<vmem>>
      %dma_start3A_31 = tpu.memref_squeeze %dma_start3A_30 : memref<1x128xi32, #tpu.memory_space<vmem>> -> memref<128xi32, #tpu.memory_space<vmem>>
      %dma_start3A_32 = arith.constant 0 : i32
      %dma_start3A_33 = arith.constant 0 : i32
      %dma_start3A_34 = tpu.memref_slice %arg17[%dma_start3A_32, %dma_start3A_33] : memref<10112x128xf32, #tpu.memory_space<vmem_shared>> -> memref<10112x128xf32, #tpu.memory_space<vmem_shared>>
      tpu.enqueue_indirect_dma source(%arg14 : memref<128x128xf32, #tpu.memory_space<vmem>>) target(%dma_start3A_34 : memref<10112x128xf32, #tpu.memory_space<vmem_shared>>) offsets(%dma_start3A_31 : memref<128xi32, #tpu.memory_space<vmem>>) semaphore(%arg21 : memref<!tpu.dma_semaphore, #tpu.memory_space<semaphore_mem>>) {add = true}
      %dma_start3A_35 = arith.constant 0 : i32
      %dma_start3A_36 = arith.constant 0 : i32
      %dma_start3A_37 = tpu.memref_slice %arg12[%dma_start3A_35, %dma_start3A_36] : memref<1x128xi32, #tpu.memory_space<vmem>> -> memref<1x128xi32, #tpu.memory_space<vmem>>
      %dma_start3A_38 = tpu.memref_squeeze %dma_start3A_37 : memref<1x128xi32, #tpu.memory_space<vmem>> -> memref<128xi32, #tpu.memory_space<vmem>>
      %dma_start3A_39 = arith.constant 0 : i32
      %dma_start3A_40 = arith.constant 0 : i32
      %dma_start3A_41 = tpu.memref_slice %arg18[%dma_start3A_39, %dma_start3A_40] : memref<10112x16xf32, #tpu.memory_space<vmem_shared>> -> memref<10112x16xf32, #tpu.memory_space<vmem_shared>>
      tpu.enqueue_indirect_dma source(%arg16 : memref<128x16xf32, #tpu.memory_space<vmem>>) target(%dma_start3A_41 : memref<10112x16xf32, #tpu.memory_space<vmem_shared>>) offsets(%dma_start3A_38 : memref<128xi32, #tpu.memory_space<vmem>>) semaphore(%arg23 : memref<!tpu.dma_semaphore, #tpu.memory_space<semaphore_mem>>) {add = true}
      %dma_wait3A_42 = arith.constant 0 : i32
      %dma_wait3A_43 = arith.constant 0 : i32
      %dma_wait3A_44 = tpu.memref_slice %arg2[%dma_wait3A_42, %dma_wait3A_43] : memref<10000x128xf32, #tpu.memory_space<hbm>> -> memref<10000x128xf32, #tpu.memory_space<hbm>>
      tpu.wait_indirect_dma semaphore(%arg20 : memref<!tpu.dma_semaphore, #tpu.memory_space<semaphore_mem>>) src(%dma_wait3A_44 : memref<10000x128xf32, #tpu.memory_space<hbm>>) dst(%arg15 : memref<128x128xf32, #tpu.memory_space<vmem>>)
      %dma_start3A_45 = arith.constant 0 : i32
      %dma_start3A_46 = arith.constant 0 : i32
      %dma_start3A_47 = tpu.memref_slice %arg13[%dma_start3A_45, %dma_start3A_46] : memref<1x128xi32, #tpu.memory_space<vmem>> -> memref<1x128xi32, #tpu.memory_space<vmem>>
      %dma_start3A_48 = tpu.memref_squeeze %dma_start3A_47 : memref<1x128xi32, #tpu.memory_space<vmem>> -> memref<128xi32, #tpu.memory_space<vmem>>
      %dma_start3A_49 = arith.constant 0 : i32
      %dma_start3A_50 = arith.constant 0 : i32
      %dma_start3A_51 = tpu.memref_slice %arg17[%dma_start3A_49, %dma_start3A_50] : memref<10112x128xf32, #tpu.memory_space<vmem_shared>> -> memref<10112x128xf32, #tpu.memory_space<vmem_shared>>
      tpu.enqueue_indirect_dma source(%arg15 : memref<128x128xf32, #tpu.memory_space<vmem>>) target(%dma_start3A_51 : memref<10112x128xf32, #tpu.memory_space<vmem_shared>>) offsets(%dma_start3A_48 : memref<128xi32, #tpu.memory_space<vmem>>) semaphore(%arg22 : memref<!tpu.dma_semaphore, #tpu.memory_space<semaphore_mem>>) {add = true}
      %dma_start3A_52 = arith.constant 0 : i32
      %dma_start3A_53 = arith.constant 0 : i32
      %dma_start3A_54 = tpu.memref_slice %arg13[%dma_start3A_52, %dma_start3A_53] : memref<1x128xi32, #tpu.memory_space<vmem>> -> memref<1x128xi32, #tpu.memory_space<vmem>>
      %dma_start3A_55 = tpu.memref_squeeze %dma_start3A_54 : memref<1x128xi32, #tpu.memory_space<vmem>> -> memref<128xi32, #tpu.memory_space<vmem>>
      %dma_start3A_56 = arith.constant 0 : i32
      %dma_start3A_57 = arith.constant 0 : i32
      %dma_start3A_58 = tpu.memref_slice %arg18[%dma_start3A_56, %dma_start3A_57] : memref<10112x16xf32, #tpu.memory_space<vmem_shared>> -> memref<10112x16xf32, #tpu.memory_space<vmem_shared>>
      tpu.enqueue_indirect_dma source(%arg16 : memref<128x16xf32, #tpu.memory_space<vmem>>) target(%dma_start3A_58 : memref<10112x16xf32, #tpu.memory_space<vmem_shared>>) offsets(%dma_start3A_55 : memref<128xi32, #tpu.memory_space<vmem>>) semaphore(%arg24 : memref<!tpu.dma_semaphore, #tpu.memory_space<semaphore_mem>>) {add = true}
      %lt3A = arith.constant 39 : i32
      %lt3A_59 = arith.cmpi slt, %scan3A_23, %lt3A : i32
      %convert_element_type3A = arith.extui %lt3A_59 : i1 to i32
      %cond3A = arith.constant 0 : i32
      %cond3A_60 = arith.cmpi ne, %convert_element_type3A, %cond3A : i32
      scf.if %cond3A_60 {
        %dma_wait3A_65 = arith.constant 0 : i32
        %dma_wait3A_66 = arith.constant 0 : i32
        %dma_wait3A_67 = tpu.memref_slice %arg12[%dma_wait3A_65, %dma_wait3A_66] : memref<1x128xi32, #tpu.memory_space<vmem>> -> memref<1x128xi32, #tpu.memory_space<vmem>>
        %dma_wait3A_68 = tpu.memref_squeeze %dma_wait3A_67 : memref<1x128xi32, #tpu.memory_space<vmem>> -> memref<128xi32, #tpu.memory_space<vmem>>
        %dma_wait3A_69 = arith.constant 0 : i32
        %dma_wait3A_70 = arith.constant 0 : i32
        %dma_wait3A_71 = tpu.memref_slice %arg17[%dma_wait3A_69, %dma_wait3A_70] : memref<10112x128xf32, #tpu.memory_space<vmem_shared>> -> memref<10112x128xf32, #tpu.memory_space<vmem_shared>>
        tpu.wait_indirect_dma semaphore(%arg21 : memref<!tpu.dma_semaphore, #tpu.memory_space<semaphore_mem>>) src(%arg14 : memref<128x128xf32, #tpu.memory_space<vmem>>) dst(%dma_wait3A_71 : memref<10112x128xf32, #tpu.memory_space<vmem_shared>>)
        %dma_wait3A_72 = arith.constant 0 : i32
        %dma_wait3A_73 = arith.constant 0 : i32
        %dma_wait3A_74 = tpu.memref_slice %arg12[%dma_wait3A_72, %dma_wait3A_73] : memref<1x128xi32, #tpu.memory_space<vmem>> -> memref<1x128xi32, #tpu.memory_space<vmem>>
        %dma_wait3A_75 = tpu.memref_squeeze %dma_wait3A_74 : memref<1x128xi32, #tpu.memory_space<vmem>> -> memref<128xi32, #tpu.memory_space<vmem>>
        %dma_wait3A_76 = arith.constant 0 : i32
        %dma_wait3A_77 = arith.constant 0 : i32
        %dma_wait3A_78 = tpu.memref_slice %arg18[%dma_wait3A_76, %dma_wait3A_77] : memref<10112x16xf32, #tpu.memory_space<vmem_shared>> -> memref<10112x16xf32, #tpu.memory_space<vmem_shared>>
        tpu.wait_indirect_dma semaphore(%arg23 : memref<!tpu.dma_semaphore, #tpu.memory_space<semaphore_mem>>) src(%arg16 : memref<128x16xf32, #tpu.memory_space<vmem>>) dst(%dma_wait3A_78 : memref<10112x16xf32, #tpu.memory_space<vmem_shared>>)
        %add3A_79 = arith.constant 2 : i32
        %add3A_80 = arith.addi %mul3A_25, %add3A_79 : i32
        %add3A_81 = arith.constant 0 : i32
        %add3A_82 = arith.addi %add3A_80, %add3A_81 : i32
        %mul3A_83 = arith.constant 128 : i32
        %mul3A_84 = arith.muli %add3A_82, %mul3A_83 : i32
        %add3A_85 = arith.addi %mul3A_6, %mul3A_84 : i32
        "tpu.region"() ({
          %run_scoped3A_115 = tpu.sem_alloc : memref<!tpu.dma_semaphore, #tpu.memory_space<semaphore_mem>>
          %dma_start3A_116 = tpu.memref_slice %arg3[%add3A_85] : memref<327680xi32, #tpu.memory_space<hbm>> -> memref<128xi32, #tpu.memory_space<hbm>>
          %dma_start3A_117 = tpu.memref_slice %arg3[%add3A_85] : memref<327680xi32, #tpu.memory_space<hbm>> -> memref<128xi32, #tpu.memory_space<hbm>>
          tpu.enqueue_dma source(%dma_start3A_117 : memref<128xi32, #tpu.memory_space<hbm>>) target(%arg10 : memref<128xi32, #tpu.memory_space<vmem>>) target_semaphore(%run_scoped3A_115 : memref<!tpu.dma_semaphore, #tpu.memory_space<semaphore_mem>>)
          %dma_wait3A_118 = tpu.memref_slice %arg3[%add3A_85] : memref<327680xi32, #tpu.memory_space<hbm>> -> memref<128xi32, #tpu.memory_space<hbm>>
          %dma_wait3A_119 = tpu.memref_slice %arg3[%add3A_85] : memref<327680xi32, #tpu.memory_space<hbm>> -> memref<128xi32, #tpu.memory_space<hbm>>
          tpu.wait_dma2 semaphore(%run_scoped3A_115 : memref<!tpu.dma_semaphore, #tpu.memory_space<semaphore_mem>>) src(%dma_wait3A_119 : memref<128xi32, #tpu.memory_space<hbm>>) dst(%arg10 : memref<128xi32, #tpu.memory_space<vmem>>)
          tpu.yield
        }) : () -> ()
        %run_scoped3A_86 = arith.constant 0 : i32
        "tpu.region"() ({
          %run_scoped3A_115 = tpu.sem_alloc : memref<!tpu.dma_semaphore, #tpu.memory_space<semaphore_mem>>
          %dma_start3A_116 = arith.constant 0 : i32
          %dma_start3A_117 = tpu.memref_slice %arg12[%run_scoped3A_86, %dma_start3A_116] : memref<1x128xi32, #tpu.memory_space<vmem>> -> memref<1x128xi32, #tpu.memory_space<vmem>>
          %dma_start3A_118 = tpu.memref_squeeze %dma_start3A_117 : memref<1x128xi32, #tpu.memory_space<vmem>> -> memref<128xi32, #tpu.memory_space<vmem>>
          %dma_start3A_119 = tpu.memref_slice %arg4[%add3A_85] : memref<327680xi32, #tpu.memory_space<hbm>> -> memref<128xi32, #tpu.memory_space<hbm>>
          %dma_start3A_120 = arith.constant 0 : i32
          %dma_start3A_121 = tpu.memref_slice %arg12[%run_scoped3A_86, %dma_start3A_120] : memref<1x128xi32, #tpu.memory_space<vmem>> -> memref<1x128xi32, #tpu.memory_space<vmem>>
          %dma_start3A_122 = tpu.memref_squeeze %dma_start3A_121 : memref<1x128xi32, #tpu.memory_space<vmem>> -> memref<128xi32, #tpu.memory_space<vmem>>
          %dma_start3A_123 = tpu.memref_slice %arg4[%add3A_85] : memref<327680xi32, #tpu.memory_space<hbm>> -> memref<128xi32, #tpu.memory_space<hbm>>
          tpu.enqueue_dma source(%dma_start3A_123 : memref<128xi32, #tpu.memory_space<hbm>>) target(%dma_start3A_122 : memref<128xi32, #tpu.memory_space<vmem>>) target_semaphore(%run_scoped3A_115 : memref<!tpu.dma_semaphore, #tpu.memory_space<semaphore_mem>>)
          %dma_wait3A_124 = arith.constant 0 : i32
          %dma_wait3A_125 = tpu.memref_slice %arg12[%run_scoped3A_86, %dma_wait3A_124] : memref<1x128xi32, #tpu.memory_space<vmem>> -> memref<1x128xi32, #tpu.memory_space<vmem>>
          %dma_wait3A_126 = tpu.memref_squeeze %dma_wait3A_125 : memref<1x128xi32, #tpu.memory_space<vmem>> -> memref<128xi32, #tpu.memory_space<vmem>>
          %dma_wait3A_127 = tpu.memref_slice %arg4[%add3A_85] : memref<327680xi32, #tpu.memory_space<hbm>> -> memref<128xi32, #tpu.memory_space<hbm>>
          %dma_wait3A_128 = arith.constant 0 : i32
          %dma_wait3A_129 = tpu.memref_slice %arg12[%run_scoped3A_86, %dma_wait3A_128] : memref<1x128xi32, #tpu.memory_space<vmem>> -> memref<1x128xi32, #tpu.memory_space<vmem>>
          %dma_wait3A_130 = tpu.memref_squeeze %dma_wait3A_129 : memref<1x128xi32, #tpu.memory_space<vmem>> -> memref<128xi32, #tpu.memory_space<vmem>>
          %dma_wait3A_131 = tpu.memref_slice %arg4[%add3A_85] : memref<327680xi32, #tpu.memory_space<hbm>> -> memref<128xi32, #tpu.memory_space<hbm>>
          tpu.wait_dma2 semaphore(%run_scoped3A_115 : memref<!tpu.dma_semaphore, #tpu.memory_space<semaphore_mem>>) src(%dma_wait3A_131 : memref<128xi32, #tpu.memory_space<hbm>>) dst(%dma_wait3A_130 : memref<128xi32, #tpu.memory_space<vmem>>)
          tpu.yield
        }) : () -> ()
        %dma_start3A_87 = arith.constant 0 : i32
        %dma_start3A_88 = arith.constant 0 : i32
        %dma_start3A_89 = tpu.memref_slice %arg2[%dma_start3A_87, %dma_start3A_88] : memref<10000x128xf32, #tpu.memory_space<hbm>> -> memref<10000x128xf32, #tpu.memory_space<hbm>>
        tpu.enqueue_indirect_dma source(%dma_start3A_89 : memref<10000x128xf32, #tpu.memory_space<hbm>>) target(%arg14 : memref<128x128xf32, #tpu.memory_space<vmem>>) offsets(%arg10 : memref<128xi32, #tpu.memory_space<vmem>>) semaphore(%arg19 : memref<!tpu.dma_semaphore, #tpu.memory_space<semaphore_mem>>)
        %dma_wait3A_90 = arith.constant 0 : i32
        %dma_wait3A_91 = arith.constant 0 : i32
        %dma_wait3A_92 = tpu.memref_slice %arg13[%dma_wait3A_90, %dma_wait3A_91] : memref<1x128xi32, #tpu.memory_space<vmem>> -> memref<1x128xi32, #tpu.memory_space<vmem>>
        %dma_wait3A_93 = tpu.memref_squeeze %dma_wait3A_92 : memref<1x128xi32, #tpu.memory_space<vmem>> -> memref<128xi32, #tpu.memory_space<vmem>>
        %dma_wait3A_94 = arith.constant 0 : i32
        %dma_wait3A_95 = arith.constant 0 : i32
        %dma_wait3A_96 = tpu.memref_slice %arg17[%dma_wait3A_94, %dma_wait3A_95] : memref<10112x128xf32, #tpu.memory_space<vmem_shared>> -> memref<10112x128xf32, #tpu.memory_space<vmem_shared>>
        tpu.wait_indirect_dma semaphore(%arg22 : memref<!tpu.dma_semaphore, #tpu.memory_space<semaphore_mem>>) src(%arg15 : memref<128x128xf32, #tpu.memory_space<vmem>>) dst(%dma_wait3A_96 : memref<10112x128xf32, #tpu.memory_space<vmem_shared>>)
        %dma_wait3A_97 = arith.constant 0 : i32
        %dma_wait3A_98 = arith.constant 0 : i32
        %dma_wait3A_99 = tpu.memref_slice %arg13[%dma_wait3A_97, %dma_wait3A_98] : memref<1x128xi32, #tpu.memory_space<vmem>> -> memref<1x128xi32, #tpu.memory_space<vmem>>
        %dma_wait3A_100 = tpu.memref_squeeze %dma_wait3A_99 : memref<1x128xi32, #tpu.memory_space<vmem>> -> memref<128xi32, #tpu.memory_space<vmem>>
        %dma_wait3A_101 = arith.constant 0 : i32
        %dma_wait3A_102 = arith.constant 0 : i32
        %dma_wait3A_103 = tpu.memref_slice %arg18[%dma_wait3A_101, %dma_wait3A_102] : memref<10112x16xf32, #tpu.memory_space<vmem_shared>> -> memref<10112x16xf32, #tpu.memory_space<vmem_shared>>
        tpu.wait_indirect_dma semaphore(%arg24 : memref<!tpu.dma_semaphore, #tpu.memory_space<semaphore_mem>>) src(%arg16 : memref<128x16xf32, #tpu.memory_space<vmem>>) dst(%dma_wait3A_103 : memref<10112x16xf32, #tpu.memory_space<vmem_shared>>)
        %add3A_104 = arith.constant 2 : i32
        %add3A_105 = arith.addi %mul3A_25, %add3A_104 : i32
        %add3A_106 = arith.constant 1 : i32
        %add3A_107 = arith.addi %add3A_105, %add3A_106 : i32
        %mul3A_108 = arith.constant 128 : i32
        %mul3A_109 = arith.muli %add3A_107, %mul3A_108 : i32
        %add3A_110 = arith.addi %mul3A_6, %mul3A_109 : i32
        "tpu.region"() ({
          %run_scoped3A_115 = tpu.sem_alloc : memref<!tpu.dma_semaphore, #tpu.memory_space<semaphore_mem>>
          %dma_start3A_116 = tpu.memref_slice %arg3[%add3A_110] : memref<327680xi32, #tpu.memory_space<hbm>> -> memref<128xi32, #tpu.memory_space<hbm>>
          %dma_start3A_117 = tpu.memref_slice %arg3[%add3A_110] : memref<327680xi32, #tpu.memory_space<hbm>> -> memref<128xi32, #tpu.memory_space<hbm>>
          tpu.enqueue_dma source(%dma_start3A_117 : memref<128xi32, #tpu.memory_space<hbm>>) target(%arg11 : memref<128xi32, #tpu.memory_space<vmem>>) target_semaphore(%run_scoped3A_115 : memref<!tpu.dma_semaphore, #tpu.memory_space<semaphore_mem>>)
          %dma_wait3A_118 = tpu.memref_slice %arg3[%add3A_110] : memref<327680xi32, #tpu.memory_space<hbm>> -> memref<128xi32, #tpu.memory_space<hbm>>
          %dma_wait3A_119 = tpu.memref_slice %arg3[%add3A_110] : memref<327680xi32, #tpu.memory_space<hbm>> -> memref<128xi32, #tpu.memory_space<hbm>>
          tpu.wait_dma2 semaphore(%run_scoped3A_115 : memref<!tpu.dma_semaphore, #tpu.memory_space<semaphore_mem>>) src(%dma_wait3A_119 : memref<128xi32, #tpu.memory_space<hbm>>) dst(%arg11 : memref<128xi32, #tpu.memory_space<vmem>>)
          tpu.yield
        }) : () -> ()
        %run_scoped3A_111 = arith.constant 0 : i32
        "tpu.region"() ({
          %run_scoped3A_115 = tpu.sem_alloc : memref<!tpu.dma_semaphore, #tpu.memory_space<semaphore_mem>>
          %dma_start3A_116 = arith.constant 0 : i32
          %dma_start3A_117 = tpu.memref_slice %arg13[%run_scoped3A_111, %dma_start3A_116] : memref<1x128xi32, #tpu.memory_space<vmem>> -> memref<1x128xi32, #tpu.memory_space<vmem>>
          %dma_start3A_118 = tpu.memref_squeeze %dma_start3A_117 : memref<1x128xi32, #tpu.memory_space<vmem>> -> memref<128xi32, #tpu.memory_space<vmem>>
          %dma_start3A_119 = tpu.memref_slice %arg4[%add3A_110] : memref<327680xi32, #tpu.memory_space<hbm>> -> memref<128xi32, #tpu.memory_space<hbm>>
          %dma_start3A_120 = arith.constant 0 : i32
          %dma_start3A_121 = tpu.memref_slice %arg13[%run_scoped3A_111, %dma_start3A_120] : memref<1x128xi32, #tpu.memory_space<vmem>> -> memref<1x128xi32, #tpu.memory_space<vmem>>
          %dma_start3A_122 = tpu.memref_squeeze %dma_start3A_121 : memref<1x128xi32, #tpu.memory_space<vmem>> -> memref<128xi32, #tpu.memory_space<vmem>>
          %dma_start3A_123 = tpu.memref_slice %arg4[%add3A_110] : memref<327680xi32, #tpu.memory_space<hbm>> -> memref<128xi32, #tpu.memory_space<hbm>>
          tpu.enqueue_dma source(%dma_start3A_123 : memref<128xi32, #tpu.memory_space<hbm>>) target(%dma_start3A_122 : memref<128xi32, #tpu.memory_space<vmem>>) target_semaphore(%run_scoped3A_115 : memref<!tpu.dma_semaphore, #tpu.memory_space<semaphore_mem>>)
          %dma_wait3A_124 = arith.constant 0 : i32
          %dma_wait3A_125 = tpu.memref_slice %arg13[%run_scoped3A_111, %dma_wait3A_124] : memref<1x128xi32, #tpu.memory_space<vmem>> -> memref<1x128xi32, #tpu.memory_space<vmem>>
          %dma_wait3A_126 = tpu.memref_squeeze %dma_wait3A_125 : memref<1x128xi32, #tpu.memory_space<vmem>> -> memref<128xi32, #tpu.memory_space<vmem>>
          %dma_wait3A_127 = tpu.memref_slice %arg4[%add3A_110] : memref<327680xi32, #tpu.memory_space<hbm>> -> memref<128xi32, #tpu.memory_space<hbm>>
          %dma_wait3A_128 = arith.constant 0 : i32
          %dma_wait3A_129 = tpu.memref_slice %arg13[%run_scoped3A_111, %dma_wait3A_128] : memref<1x128xi32, #tpu.memory_space<vmem>> -> memref<1x128xi32, #tpu.memory_space<vmem>>
          %dma_wait3A_130 = tpu.memref_squeeze %dma_wait3A_129 : memref<1x128xi32, #tpu.memory_space<vmem>> -> memref<128xi32, #tpu.memory_space<vmem>>
          %dma_wait3A_131 = tpu.memref_slice %arg4[%add3A_110] : memref<327680xi32, #tpu.memory_space<hbm>> -> memref<128xi32, #tpu.memory_space<hbm>>
          tpu.wait_dma2 semaphore(%run_scoped3A_115 : memref<!tpu.dma_semaphore, #tpu.memory_space<semaphore_mem>>) src(%dma_wait3A_131 : memref<128xi32, #tpu.memory_space<hbm>>) dst(%dma_wait3A_130 : memref<128xi32, #tpu.memory_space<vmem>>)
          tpu.yield
        }) : () -> ()
        %dma_start3A_112 = arith.constant 0 : i32
        %dma_start3A_113 = arith.constant 0 : i32
        %dma_start3A_114 = tpu.memref_slice %arg2[%dma_start3A_112, %dma_start3A_113] : memref<10000x128xf32, #tpu.memory_space<hbm>> -> memref<10000x128xf32, #tpu.memory_space<hbm>>
        tpu.enqueue_indirect_dma source(%dma_start3A_114 : memref<10000x128xf32, #tpu.memory_space<hbm>>) target(%arg15 : memref<128x128xf32, #tpu.memory_space<vmem>>) offsets(%arg11 : memref<128xi32, #tpu.memory_space<vmem>>) semaphore(%arg20 : memref<!tpu.dma_semaphore, #tpu.memory_space<semaphore_mem>>)
      } else {
      }
      %eq3A = arith.constant 39 : i32
      %eq3A_61 = arith.cmpi eq, %scan3A_23, %eq3A : i32
      %convert_element_type3A_62 = arith.extui %eq3A_61 : i1 to i32
      %cond3A_63 = arith.constant 0 : i32
      %cond3A_64 = arith.cmpi ne, %convert_element_type3A_62, %cond3A_63 : i32
      scf.if %cond3A_64 {
        %dma_wait3A_65 = arith.constant 0 : i32
        %dma_wait3A_66 = arith.constant 0 : i32
        %dma_wait3A_67 = tpu.memref_slice %arg12[%dma_wait3A_65, %dma_wait3A_66] : memref<1x128xi32, #tpu.memory_space<vmem>> -> memref<1x128xi32, #tpu.memory_space<vmem>>
        %dma_wait3A_68 = tpu.memref_squeeze %dma_wait3A_67 : memref<1x128xi32, #tpu.memory_space<vmem>> -> memref<128xi32, #tpu.memory_space<vmem>>
        %dma_wait3A_69 = arith.constant 0 : i32
        %dma_wait3A_70 = arith.constant 0 : i32
        %dma_wait3A_71 = tpu.memref_slice %arg17[%dma_wait3A_69, %dma_wait3A_70] : memref<10112x128xf32, #tpu.memory_space<vmem_shared>> -> memref<10112x128xf32, #tpu.memory_space<vmem_shared>>
        tpu.wait_indirect_dma semaphore(%arg21 : memref<!tpu.dma_semaphore, #tpu.memory_space<semaphore_mem>>) src(%arg14 : memref<128x128xf32, #tpu.memory_space<vmem>>) dst(%dma_wait3A_71 : memref<10112x128xf32, #tpu.memory_space<vmem_shared>>)
        %dma_wait3A_72 = arith.constant 0 : i32
        %dma_wait3A_73 = arith.constant 0 : i32
        %dma_wait3A_74 = tpu.memref_slice %arg12[%dma_wait3A_72, %dma_wait3A_73] : memref<1x128xi32, #tpu.memory_space<vmem>> -> memref<1x128xi32, #tpu.memory_space<vmem>>
        %dma_wait3A_75 = tpu.memref_squeeze %dma_wait3A_74 : memref<1x128xi32, #tpu.memory_space<vmem>> -> memref<128xi32, #tpu.memory_space<vmem>>
        %dma_wait3A_76 = arith.constant 0 : i32
        %dma_wait3A_77 = arith.constant 0 : i32
        %dma_wait3A_78 = tpu.memref_slice %arg18[%dma_wait3A_76, %dma_wait3A_77] : memref<10112x16xf32, #tpu.memory_space<vmem_shared>> -> memref<10112x16xf32, #tpu.memory_space<vmem_shared>>
        tpu.wait_indirect_dma semaphore(%arg23 : memref<!tpu.dma_semaphore, #tpu.memory_space<semaphore_mem>>) src(%arg16 : memref<128x16xf32, #tpu.memory_space<vmem>>) dst(%dma_wait3A_78 : memref<10112x16xf32, #tpu.memory_space<vmem_shared>>)
        %dma_wait3A_79 = arith.constant 0 : i32
        %dma_wait3A_80 = arith.constant 0 : i32
        %dma_wait3A_81 = tpu.memref_slice %arg13[%dma_wait3A_79, %dma_wait3A_80] : memref<1x128xi32, #tpu.memory_space<vmem>> -> memref<1x128xi32, #tpu.memory_space<vmem>>
        %dma_wait3A_82 = tpu.memref_squeeze %dma_wait3A_81 : memref<1x128xi32, #tpu.memory_space<vmem>> -> memref<128xi32, #tpu.memory_space<vmem>>
        %dma_wait3A_83 = arith.constant 0 : i32
        %dma_wait3A_84 = arith.constant 0 : i32
        %dma_wait3A_85 = tpu.memref_slice %arg17[%dma_wait3A_83, %dma_wait3A_84] : memref<10112x128xf32, #tpu.memory_space<vmem_shared>> -> memref<10112x128xf32, #tpu.memory_space<vmem_shared>>
        tpu.wait_indirect_dma semaphore(%arg22 : memref<!tpu.dma_semaphore, #tpu.memory_space<semaphore_mem>>) src(%arg15 : memref<128x128xf32, #tpu.memory_space<vmem>>) dst(%dma_wait3A_85 : memref<10112x128xf32, #tpu.memory_space<vmem_shared>>)
        %dma_wait3A_86 = arith.constant 0 : i32
        %dma_wait3A_87 = arith.constant 0 : i32
        %dma_wait3A_88 = tpu.memref_slice %arg13[%dma_wait3A_86, %dma_wait3A_87] : memref<1x128xi32, #tpu.memory_space<vmem>> -> memref<1x128xi32, #tpu.memory_space<vmem>>
        %dma_wait3A_89 = tpu.memref_squeeze %dma_wait3A_88 : memref<1x128xi32, #tpu.memory_space<vmem>> -> memref<128xi32, #tpu.memory_space<vmem>>
        %dma_wait3A_90 = arith.constant 0 : i32
        %dma_wait3A_91 = arith.constant 0 : i32
        %dma_wait3A_92 = tpu.memref_slice %arg18[%dma_wait3A_90, %dma_wait3A_91] : memref<10112x16xf32, #tpu.memory_space<vmem_shared>> -> memref<10112x16xf32, #tpu.memory_space<vmem_shared>>
        tpu.wait_indirect_dma semaphore(%arg24 : memref<!tpu.dma_semaphore, #tpu.memory_space<semaphore_mem>>) src(%arg16 : memref<128x16xf32, #tpu.memory_space<vmem>>) dst(%dma_wait3A_92 : memref<10112x16xf32, #tpu.memory_space<vmem_shared>>)
      } else {
      }
    }
    %scan3A_21 = arith.constant 40 : i32
    %barrier3A_22 = arith.constant 0 : index
    tpu.barrier barrier_id(%barrier3A_22)
    "tpu.region"() ({
      %run_scoped3A_23 = tpu.sem_alloc : memref<!tpu.dma_semaphore, #tpu.memory_space<semaphore_mem>>
      %dma_start3A_24 = arith.constant 0 : i32
      %dma_start3A_25 = tpu.memref_slice %arg8[%arg0, %mul3A_2, %dma_start3A_24] : memref<2x10112x128xf32, #tpu.memory_space<hbm>> -> memref<1x632x128xf32, #tpu.memory_space<hbm>>
      %dma_start3A_26 = tpu.memref_squeeze %dma_start3A_25 : memref<1x632x128xf32, #tpu.memory_space<hbm>> -> memref<632x128xf32, #tpu.memory_space<hbm>>
      %dma_start3A_27 = arith.constant 0 : i32
      %dma_start3A_28 = tpu.memref_slice %arg17[%mul3A_2, %dma_start3A_27] : memref<10112x128xf32, #tpu.memory_space<vmem_shared>> -> memref<632x128xf32, #tpu.memory_space<vmem_shared>>
      tpu.enqueue_dma source(%dma_start3A_28 : memref<632x128xf32, #tpu.memory_space<vmem_shared>>) target(%dma_start3A_26 : memref<632x128xf32, #tpu.memory_space<hbm>>) target_semaphore(%run_scoped3A_23 : memref<!tpu.dma_semaphore, #tpu.memory_space<semaphore_mem>>)
      %dma_wait3A = arith.constant 0 : i32
      %dma_wait3A_29 = tpu.memref_slice %arg8[%arg0, %mul3A_2, %dma_wait3A] : memref<2x10112x128xf32, #tpu.memory_space<hbm>> -> memref<1x632x128xf32, #tpu.memory_space<hbm>>
      %dma_wait3A_30 = tpu.memref_squeeze %dma_wait3A_29 : memref<1x632x128xf32, #tpu.memory_space<hbm>> -> memref<632x128xf32, #tpu.memory_space<hbm>>
      %dma_wait3A_31 = arith.constant 0 : i32
      %dma_wait3A_32 = tpu.memref_slice %arg17[%mul3A_2, %dma_wait3A_31] : memref<10112x128xf32, #tpu.memory_space<vmem_shared>> -> memref<632x128xf32, #tpu.memory_space<vmem_shared>>
      tpu.wait_dma2 semaphore(%run_scoped3A_23 : memref<!tpu.dma_semaphore, #tpu.memory_space<semaphore_mem>>) src(%dma_wait3A_32 : memref<632x128xf32, #tpu.memory_space<vmem_shared>>) dst(%dma_wait3A_30 : memref<632x128xf32, #tpu.memory_space<hbm>>)
      tpu.yield
    }) : () -> ()
    "tpu.region"() ({
      %run_scoped3A_23 = tpu.sem_alloc : memref<!tpu.dma_semaphore, #tpu.memory_space<semaphore_mem>>
      %dma_start3A_24 = arith.constant 0 : i32
      %dma_start3A_25 = tpu.memref_slice %arg9[%arg0, %mul3A_2, %dma_start3A_24] : memref<2x10112x16xf32, #tpu.memory_space<hbm>> -> memref<1x632x16xf32, #tpu.memory_space<hbm>>
      %dma_start3A_26 = tpu.memref_squeeze %dma_start3A_25 : memref<1x632x16xf32, #tpu.memory_space<hbm>> -> memref<632x16xf32, #tpu.memory_space<hbm>>
      %dma_start3A_27 = arith.constant 0 : i32
      %dma_start3A_28 = tpu.memref_slice %arg18[%mul3A_2, %dma_start3A_27] : memref<10112x16xf32, #tpu.memory_space<vmem_shared>> -> memref<632x16xf32, #tpu.memory_space<vmem_shared>>
      tpu.enqueue_dma source(%dma_start3A_28 : memref<632x16xf32, #tpu.memory_space<vmem_shared>>) target(%dma_start3A_26 : memref<632x16xf32, #tpu.memory_space<hbm>>) target_semaphore(%run_scoped3A_23 : memref<!tpu.dma_semaphore, #tpu.memory_space<semaphore_mem>>)
      %dma_wait3A = arith.constant 0 : i32
      %dma_wait3A_29 = tpu.memref_slice %arg9[%arg0, %mul3A_2, %dma_wait3A] : memref<2x10112x16xf32, #tpu.memory_space<hbm>> -> memref<1x632x16xf32, #tpu.memory_space<hbm>>
      %dma_wait3A_30 = tpu.memref_squeeze %dma_wait3A_29 : memref<1x632x16xf32, #tpu.memory_space<hbm>> -> memref<632x16xf32, #tpu.memory_space<hbm>>
      %dma_wait3A_31 = arith.constant 0 : i32
      %dma_wait3A_32 = tpu.memref_slice %arg18[%mul3A_2, %dma_wait3A_31] : memref<10112x16xf32, #tpu.memory_space<vmem_shared>> -> memref<632x16xf32, #tpu.memory_space<vmem_shared>>
      tpu.wait_dma2 semaphore(%run_scoped3A_23 : memref<!tpu.dma_semaphore, #tpu.memory_space<semaphore_mem>>) src(%dma_wait3A_32 : memref<632x16xf32, #tpu.memory_space<vmem_shared>>) dst(%dma_wait3A_30 : memref<632x16xf32, #tpu.memory_space<hbm>>)
      tpu.yield
    }) : () -> ()
    return
  }
}

module attributes {stable_mosaic.version = 14 : i64} {
  func.func @_tc_combine_body(%arg0: i32, %arg1: memref<256x128xf32, #tpu.memory_space<vmem>>, %arg2: memref<256x128xf32, #tpu.memory_space<vmem>>, %arg3: memref<256x16xf32, #tpu.memory_space<vmem>>, %arg4: memref<256x16xf32, #tpu.memory_space<vmem>>, %arg5: memref<256x128xf32, #tpu.memory_space<vmem>>, %arg6: memref<128x128xf32, #tpu.memory_space<vmem>>, %arg7: memref<128x128xf32, #tpu.memory_space<vmem>>, %arg8: memref<1x128xf32, #tpu.memory_space<vmem>>, %arg9: memref<256x128xf32, #tpu.memory_space<vmem>>) attributes {dimension_semantics = [#tpu.dimension_semantics<arbitrary>], iteration_bounds = array<i64: 40>, scalar_prefetch = 0 : i64, scratch_operands = 0 : i64, tpu.core_type = #tpu.core_type<tc>, window_params = [{transform_indices = @transform_0, window_bounds = array<i64: 256, 128>}, {transform_indices = @transform_1, window_bounds = array<i64: 256, 128>}, {transform_indices = @transform_2, window_bounds = array<i64: 256, 16>}, {transform_indices = @transform_3, window_bounds = array<i64: 256, 16>}, {transform_indices = @transform_4, window_bounds = array<i64: 256, 128>}, {pipeline_mode = #tpu.pipeline_mode<synchronous>, transform_indices = @transform_5, window_bounds = array<i64: 128, 128>}, {pipeline_mode = #tpu.pipeline_mode<synchronous>, transform_indices = @transform_6, window_bounds = array<i64: 128, 128>}, {pipeline_mode = #tpu.pipeline_mode<synchronous>, transform_indices = @transform_7, window_bounds = array<i64: 1, 128>}, {transform_indices = @transform_8, window_bounds = array<i64: 256, 128>}]} {
    %get3A = arith.constant 0 : index
    %get3A_0 = arith.constant 0 : index
    %get3A_1 = vector.load %arg1[%get3A, %get3A_0] : memref<256x128xf32, #tpu.memory_space<vmem>>, vector<256x128xf32>
    %get3A_2 = arith.constant 0 : index
    %get3A_3 = arith.constant 0 : index
    %get3A_4 = vector.load %arg2[%get3A_2, %get3A_3] : memref<256x128xf32, #tpu.memory_space<vmem>>, vector<256x128xf32>
    %add3A = arith.addf %get3A_1, %get3A_4 : vector<256x128xf32>
    %get3A_5 = arith.constant 0 : index
    %get3A_6 = arith.constant 0 : index
    %get3A_7 = vector.load %arg6[%get3A_5, %get3A_6] : memref<128x128xf32, #tpu.memory_space<vmem>>, vector<128x128xf32>
    %dot_general3A = arith.constant dense<0.000000e+00> : vector<256x128xf32>
    %dot_general3A_8 = tpu.matmul %add3A, %get3A_7, %dot_general3A {dimension_numbers = #tpu.dot_dimension_numbers<[1], [0], [0], [1], [0, 0, 1, 1], [], []>, transpose_lhs_hint = false} : vector<256x128xf32>, vector<128x128xf32>, vector<256x128xf32> -> vector<256x128xf32>
    %get3A_9 = arith.constant 0 : index
    %get3A_10 = arith.constant 0 : index
    %get3A_11 = vector.load %arg5[%get3A_9, %get3A_10] : memref<256x128xf32, #tpu.memory_space<vmem>>, vector<256x128xf32>
    %get3A_12 = arith.constant 0 : index
    %get3A_13 = arith.constant 0 : index
    %get3A_14 = vector.load %arg7[%get3A_12, %get3A_13] : memref<128x128xf32, #tpu.memory_space<vmem>>, vector<128x128xf32>
    %dot_general3A_15 = arith.constant dense<0.000000e+00> : vector<256x128xf32>
    %dot_general3A_16 = tpu.matmul %get3A_11, %get3A_14, %dot_general3A_15 {dimension_numbers = #tpu.dot_dimension_numbers<[1], [0], [0], [1], [0, 0, 1, 1], [], []>, transpose_lhs_hint = false} : vector<256x128xf32>, vector<128x128xf32>, vector<256x128xf32> -> vector<256x128xf32>
    %get3A_17 = arith.constant 0 : index
    %get3A_18 = arith.constant 0 : index
    %get3A_19 = vector.load %arg3[%get3A_17, %get3A_18] : memref<256x16xf32, #tpu.memory_space<vmem>>, vector<256x1xf32>
    %get3A_20 = arith.constant 0 : index
    %get3A_21 = arith.constant 0 : index
    %get3A_22 = vector.load %arg4[%get3A_20, %get3A_21] : memref<256x16xf32, #tpu.memory_space<vmem>>, vector<256x1xf32>
    %add3A_23 = arith.addf %get3A_19, %get3A_22 : vector<256x1xf32>
    %add3A_24 = arith.constant 1.000000e+00 : f32
    %add3A_25 = vector.broadcast %add3A_24 : f32 to vector<256x1xf32>
    %add3A_26 = arith.addf %add3A_23, %add3A_25 : vector<256x1xf32>
    %add3A_27 = arith.addf %dot_general3A_8, %dot_general3A_16 : vector<256x128xf32>
    %div3A = vector.broadcast %add3A_26 : vector<256x1xf32> to vector<256x128xf32>
    %div3A_28 = arith.divf %add3A_27, %div3A : vector<256x128xf32>
    %get3A_29 = arith.constant 0 : index
    %get3A_30 = arith.constant 0 : index
    %get3A_31 = vector.load %arg8[%get3A_29, %get3A_30] : memref<1x128xf32, #tpu.memory_space<vmem>>, vector<1x128xf32>
    %add3A_32 = vector.broadcast %get3A_31 : vector<1x128xf32> to vector<256x128xf32>
    %add3A_33 = arith.addf %div3A_28, %add3A_32 : vector<256x128xf32>
    %max3A = arith.constant 0.000000e+00 : f32
    %max3A_34 = vector.broadcast %max3A : f32 to vector<256x128xf32>
    %max3A_35 = arith.maximumf %add3A_33, %max3A_34 : vector<256x128xf32>
    %swap3A = arith.constant 0 : index
    %swap3A_36 = arith.constant 0 : index
    %swap3A_37 = vector.load %arg9[%swap3A, %swap3A_36] : memref<256x128xf32, #tpu.memory_space<vmem>>, vector<256x128xf32>
    tpu.vector_store %arg9[%swap3A, %swap3A_36], %max3A_35 {strides = array<i32>} : memref<256x128xf32, #tpu.memory_space<vmem>>, vector<256x128xf32>,
    return
  }
  func.func @transform_0(%arg0: i32) -> (i32, i32) {
    %c0_i32 = arith.constant 0 : i32
    %c0_i32_0 = arith.constant 0 : i32
    return %arg0, %c0_i32 : i32, i32
  }
  func.func @transform_1(%arg0: i32) -> (i32, i32) {
    %c0_i32 = arith.constant 0 : i32
    %c0_i32_0 = arith.constant 0 : i32
    return %arg0, %c0_i32 : i32, i32
  }
  func.func @transform_2(%arg0: i32) -> (i32, i32) {
    %c0_i32 = arith.constant 0 : i32
    %c0_i32_0 = arith.constant 0 : i32
    return %arg0, %c0_i32 : i32, i32
  }
  func.func @transform_3(%arg0: i32) -> (i32, i32) {
    %c0_i32 = arith.constant 0 : i32
    %c0_i32_0 = arith.constant 0 : i32
    return %arg0, %c0_i32 : i32, i32
  }
  func.func @transform_4(%arg0: i32) -> (i32, i32) {
    %c0_i32 = arith.constant 0 : i32
    %c0_i32_0 = arith.constant 0 : i32
    return %arg0, %c0_i32 : i32, i32
  }
  func.func @transform_5(%arg0: i32) -> (i32, i32) {
    %c0_i32 = arith.constant 0 : i32
    %c0_i32_0 = arith.constant 0 : i32
    %c0_i32_1 = arith.constant 0 : i32
    return %c0_i32, %c0_i32_0 : i32, i32
  }
  func.func @transform_6(%arg0: i32) -> (i32, i32) {
    %c0_i32 = arith.constant 0 : i32
    %c0_i32_0 = arith.constant 0 : i32
    %c0_i32_1 = arith.constant 0 : i32
    return %c0_i32, %c0_i32_0 : i32, i32
  }
  func.func @transform_7(%arg0: i32) -> (i32, i32) {
    %c0_i32 = arith.constant 0 : i32
    %c0_i32_0 = arith.constant 0 : i32
    %c0_i32_1 = arith.constant 0 : i32
    return %c0_i32, %c0_i32_0 : i32, i32
  }
  func.func @transform_8(%arg0: i32) -> (i32, i32) {
    %c0_i32 = arith.constant 0 : i32
    %c0_i32_0 = arith.constant 0 : i32
    return %arg0, %c0_i32 : i32, i32
  }
}

</mosaic_0001>

<sc_bundles>
// kernel: kernel.4.cloned.1.call-start
scs
__scs_entry_jumppad:
0x0: {  	(pc) =	sbr.rel $0x88, $3  }
0x1: {  	(tag) =	ssettag $0x0;
	lr =	simm.s32 $0x1  }
0x2: {  	[smem:$0x3F9C] =	sst lr;
	_ =	strace $0xD0000000  }
0x3: {  	_ = 	snop  }
0x4: {  	_ = 	snop  }
0x5: {  	_ = 	snop  }
0x6: {  	_ = 	snop  }
0x7: {  	_ = 	snop  }
__scs_overlays_trampoline_lowered:
0x8: {  	[smem:$0x3FAB] =	sst s0  }
0x9: {  	[smem:$0x3FAC] =	sst s1  }
0xa: {  	[smem:$0x3FAD] =	sst s2  }
0xb: {  	[smem:$0x3FAE] =	sst s3  }
0xc: {  	[smem:$0x3FAF] =	sst s4  }
0xd: {  	[smem:$0x3FB0] =	sst s5  }
0xe: {  	[smem:$0x3FB1] =	sst s6  }
0xf: {  	[smem:$0x3FB2] =	sst s7  }
0x10: {  	[smem:$0x3FB3] =	sst s8  }
0x11: {  	[smem:$0x3FB4] =	sst s9;
	s0 =	simm.s32 @!p0 $0x0  }
0x12: {  	s1 =	sld [smem:$0x3F9A];
	s0 =	simm.s32 @p0 $0x1  }
0x13: {  	[smem:$0x3FB5] =	sst s0;
	s0 =	simm.s32 @!p1 $0x0  }
0x14: {  	s2 =	sld [smem:$0x3F99];
	s0 =	simm.s32 @p1 $0x1  }
0x15: {  	[smem:$0x3FB6] =	sst s0;
	s0 =	simm.s32 @!p2 $0x0  }
0x16: {  	s3 =	sld [smem:$0x3FDB];
	s0 =	simm.s32 @p2 $0x1  }
0x17: {  	s4 =	simm.s32 $0x1BF5;
	[smem:$0x3FB8] =	sst s0  }
0x18: {  	s0 =	sld [smem:$0x3F9B];
	_ =	swait.ge [sflag:s4], $0x0  }
0x19: {  	s7 =	sld [smem:$0x3F9C]  }
0x1a: {  	s8 =	sadd.s32 $0xFFFFE003, lr  }
0x1b: {  	s9 =	sadd.s32 $0xFFFFFEF7, lr;
	s5 =	simm.s32 $0xFFFFFFFF;
	p2 =	slt.u32 s8, $0xFFFFF086  }
0x1c: {  	p1 =	slt.u32 s9, $0xF7A;
	s5 =	simm.s32 @!p2 $0x0  }
0x1d: {  	s5 =	simm.s32 @p1 $0x1;
	p0 =	seq.s32 s7, s2  }
0x1e: {  	s7 =	smul.u32 @!p0 $0xF7A, s2;
	p2 =	seq.s32 @!p0 s5, $0x0  }
0x1f: {  	s9 =	smul.u32 $0xF7A, s1;
	s8 =	simm.s32 @!p0 $0x1BF5;
	p2 =	por !p2, p0  }
0x20: {  	[sflag:s8] =	ssyncset.s32 @!p0 $0xFFFFF086;
	s6 =	sadd.s32 @!p0 s3, s7;
	s7 =	simm.s32 @!p0 $0x108  }
0x21: {  	s3 =	sadd.s32 s3, s9;
	s6 =	sadd.s32 @!p0 $0x88, s6;
	s7 =	simm.s32 @p2 $0x1082  }
0x22: {  	[simem:s7], [sflag:s8] =	dma.local @!p0 [hbm:s6], $0xF7A  }
0x23: {  	s9 =	sor.u32 $0xD0000000, s2;
	s6 =	simm.s32 $0x108;
	_ =	swait.ge @!p0 [sflag:s8], $0x0  }
0x24: {  	s3 =	sadd.s32 $0x88, s3;
	s6 =	simm.s32 @!p1 $0x1082;
	[sflag:s4] =	ssyncset.s32 $0xFFFFF086  }
0x25: {  	[simem:s6], [sflag:s4] =	dma.local [hbm:s3], $0xF7A  }
0x26: {  	[smem:$0x3F9C] =	sst s1;
	(tag) =	ssettag s2;
	_ =	strace s9  }
0x27: {  	s1 =	sld [smem:$0x3FAC]  }
0x28: {  	s2 =	sld [smem:$0x3FAD]  }
0x29: {  	s4 =	sld [smem:$0x3FAF]  }
0x2a: {  	p0 =	seq.s32 s5, $0x0;
	s5 =	sld [smem:$0x3FB0]  }
0x2b: {  	s6 =	sld [smem:$0x3FB1]  }
0x2c: {  	s7 =	sld [smem:$0x3FB2]  }
0x2d: {  	s3 =	simm.s32 $0x108;
	s8 =	sld [smem:$0x3FB3]  }
0x2e: {  	s3 =	simm.s32 @!p0 $0x1082;
	s9 =	sld [smem:$0x3FB4]  }
0x2f: {  	lr =	sadd.s32 s0, s3;
	s0 =	sld [smem:$0x3FAB]  }
0x30: {  	s3 =	sld [smem:$0x3FAE]  }
0x31: {  	[smem:$0x3FB7] =	sst s10  }
0x32: {  	s10 =	sld [smem:$0x3FB5];
	_ =	sdelay $0x3  }
0x33: {  	p0 =	seq.s32 s10, $0x1;
	s10 =	sld [smem:$0x3FB7];
	_ =	sdelay $0x3  }
0x34: {  	[smem:$0x3FB7] =	sst s10  }
0x35: {  	s10 =	sld [smem:$0x3FB6];
	_ =	sdelay $0x3  }
0x36: {  	p1 =	seq.s32 s10, $0x1;
	s10 =	sld [smem:$0x3FB7];
	_ =	sdelay $0x3  }
0x37: {  	[smem:$0x3FB7] =	sst s10  }
0x38: {  	s10 =	sld [smem:$0x3FB8]  }
0x39: {  	_ = 	snop;
	(pc) =	sbr.ind lr, $3  }
0x3a: {  	_ = 	snop  }
0x3b: {  	_ = 	snop  }
0x3c: {  	p2 =	seq.s32 s10, $0x1;
	s10 =	sld [smem:$0x3FB7]  }
0x3d: {  	_ =	shalt  }
0x3e: {  	_ =	shalt  }
0x3f: {  	_ =	shalt  }
0x40: {  	_ =	shalt  }
0x41: {  	_ =	shalt  }
0x42: {  	_ =	shalt  }
0x43: {  	_ =	shalt  }
0x44: {  	_ =	shalt  }
0x45: {  	_ =	shalt  }
0x46: {  	_ =	shalt  }
0x47: {  	_ =	shalt  }
0x48: {  	_ =	shalt  }
0x49: {  	_ =	shalt  }
0x4a: {  	_ =	shalt  }
0x4b: {  	_ =	shalt  }
0x4c: {  	_ =	shalt  }
0x4d: {  	_ =	shalt  }
0x4e: {  	_ =	shalt  }
0x4f: {  	_ =	shalt  }
0x50: {  	_ =	shalt  }
0x51: {  	_ =	shalt  }
0x52: {  	_ =	shalt  }
0x53: {  	_ =	shalt  }
0x54: {  	_ =	shalt  }
0x55: {  	_ =	shalt  }
0x56: {  	_ =	shalt  }
0x57: {  	_ =	shalt  }
0x58: {  	_ =	shalt  }
0x59: {  	_ =	shalt  }
0x5a: {  	_ =	shalt  }
0x5b: {  	_ =	shalt  }
0x5c: {  	_ =	shalt  }
0x5d: {  	_ =	shalt  }
0x5e: {  	_ =	shalt  }
0x5f: {  	_ =	shalt  }
0x60: {  	_ =	shalt  }
0x61: {  	_ =	shalt  }
0x62: {  	_ =	shalt  }
0x63: {  	_ =	shalt  }
0x64: {  	_ =	shalt  }
0x65: {  	_ =	shalt  }
0x66: {  	_ =	shalt  }
0x67: {  	_ =	shalt  }
0x68: {  	_ =	shalt  }
0x69: {  	_ =	shalt  }
0x6a: {  	_ =	shalt  }
0x6b: {  	_ =	shalt  }
0x6c: {  	_ =	shalt  }
0x6d: {  	_ =	shalt  }
0x6e: {  	_ =	shalt  }
0x6f: {  	_ =	shalt  }
0x70: {  	_ =	shalt  }
0x71: {  	_ =	shalt  }
0x72: {  	_ =	shalt  }
0x73: {  	_ =	shalt  }
0x74: {  	_ =	shalt  }
0x75: {  	_ =	shalt  }
0x76: {  	_ =	shalt  }
0x77: {  	_ =	shalt  }
0x78: {  	_ =	shalt  }
0x79: {  	_ =	shalt  }
0x7a: {  	_ =	shalt  }
0x7b: {  	_ =	shalt  }
0x7c: {  	_ =	shalt  }
0x7d: {  	_ =	shalt  }
0x7e: {  	_ =	shalt  }
0x7f: {  	_ =	shalt  }
0x80: {  	_ =	shalt  }
0x81: {  	_ =	shalt  }
0x82: {  	_ =	shalt  }
0x83: {  	_ =	shalt  }
0x84: {  	_ =	shalt  }
0x85: {  	_ =	shalt  }
0x86: {  	_ =	shalt  }
0x87: {  	_ =	shalt  }
.Lfunc_end0:
.L_simem_size_0:
called_computation_lowered:
.L_overlay_start_0:
0x88: {  	s2 =	sld [smem:$0x3FD9]  }
0x89: {  	s3 =	sld [smem:$0x3FFE];
	_ =	sdelay $0x1  }
0x8a: {  	s1 =	srdreg.scid  }
0x8b: {  	s0 =	sand.u32 $0x1, s1  }
0x8c: {  	s17 =	sshll.u32 s0, $0xA;
	s2 =	sadd.s32 s3, s2  }
0x8d: {  	s2 =	sadd.s32 s2, s17  }
0x8e: {  	[smem:$0x3FC3] =	sst s2  }
0x8f: {  	_ = 	snop  }
0x90: {  	s2 =	sld [smem:$0x3FC9]  }
0x91: {  	s18 =	sld [smem:$0x3FD0];
	(tm) =	ssettm $0x1  }
0x92: {  	s4 =	sld [smem:$0x3FFB];
	_ =	sdelay $0x3  }
0x93: {  	_ =	strace s4  }
0x94: {  	s4 =	sld [smem:$0x3FFC];
	_ =	sdelay $0x3  }
0x95: {  	_ =	strace s4  }
0x96: {  	s4 =	sld [smem:$0x3FFD];
	_ =	sdelay $0x3  }
0x97: {  	_ =	strace s4  }
0x98: {  	_ =	strace $0x8FFFFFFF  }
0x99: {  	s19 =	sld [smem:$0x3FDB];
	_ =	sdelay $0x1  }
0x9a: {  	s5 =	simm.s32 $_scs_section_size  }
0x9b: {  	s6 =	simm.s32 $_size__tile_overlayer_lowered;
	s7 =	simm.s32 $_tile_overlayer_lowered  }
0x9c: {  	s22 =	simm.s32 $0x1BFF;
	s21 =	sshll.u32 s7, $0x1;
	s4 =	sadd.s32 s5, s19  }
0x9d: {  	s8 =	simm.s32 $0x0;
	s20 =	sshll.u32 s6, $0x1;
	s6 =	sadd.s32 s21, s4  }
0x9e: {  	[timem:s8], [sflag:s22] =	dma.local [hbm:s6], s20  }
0x9f: {  	_ =	swait.ge [sflag:s22], s20  }
0xa0: {  	s5 =	ssub.s32 $0x0, s20;
	[sflag:s22] =	ssyncset.done $0x0  }
0xa1: {  	[sflag:s22] =	ssyncadd.s32 s5;
	_ =	sdelay $0x1  }
0xa2: {  	s23 =	simm.s32 $0x1B8B  }
0xa3: {  	_ =	swait.ge [sflag:s23], $0x1  }
0xa4: {  	[sflag:s23] =	ssyncset.done $0x0  }
0xa5: {  	s25 =	simm.s32 $0x1B8E;
	s24 =	sld [smem:$0x3FFE];
	[sflag:s23] =	ssyncadd.s32 $0xFFFFFFFF  }
0xa6: {  	s26 =	simm.s32 $execute0_lowered;
	[smem:$0x3FD2] =	sst s25  }
0xa7: {  	s6 =	sshll.u32 s26, $0x1;
	_ =	strace $0x80000046;
	[dreg:$0x1] =	wrdreg $0xFFFFFFFF  }
0xa8: {  	s28 =	simm.s32 $_size_execute0_lowered;
	s4 =	sadd.s32 s4, s6;
	[dreg:$0x0] =	wrdreg $0x0  }
0xa9: {  	s6 =	sshll.u32 s28, $0x1;
	[dreg:$0x2] =	wrdreg s4  }
0xaa: {  	[dreg:$0x3] =	wrdreg s6  }
0xab: {  	[dreg:$0x4] =	wrdreg $0xC0  }
0xac: {  	_ =	task [dreg:s8], $0x5FFFF  }
0xad: {  	[dreg:$0x1] =	wrdreg $0xFFFFFFFF  }
0xae: {  	[dreg:$0x0] =	wrdreg $0x60  }
0xaf: {  	[dreg:$0x2] =	wrdreg s2  }
0xb0: {  	[dreg:$0x3] =	wrdreg s18  }
0xb1: {  	[dreg:$0x4] =	wrdreg s24  }
0xb2: {  	[dreg:$0x5] =	wrdreg $0x8A000  }
0xb3: {  	[dreg:$0x6] =	wrdreg $0x1C6000  }
0xb4: {  	[dreg:$0x7] =	wrdreg $0x9  }
0xb5: {  	_ =	task.clear_ibuf [dreg:s8], $0x8FFFF;
	_ =	strace $0x90000046  }
0xb6: {  	s29 =	simm.s32 $0x9;
	_ =	strace $0x80000048  }
0xb7: {  	_ =	swait.ge [sflag:s29], $0x1  }
0xb8: {  	[sflag:s29] =	ssyncadd.s32 $0xFFFFFFFF  }
0xb9: {  	_ =	strace $0x90000048  }
0xba: {  	_ =	sfence  }
0xbb: {  	s30 =	sld [smem:$0x0];
	_ =	sdelay $0x2  }
0xbc: {  	s31 =	sshll.u32 s1, $0xD;
	s1 =	sshrl.u32 s1, $0x2  }
0xbd: {  	s3 =	sand.u32 $0x4000, s31;
	s1 =	sadd.s32 s1, s30  }
0xbe: {  	s0 =	sor.u32 s3, s0;
	s1 =	sshll.u32 s1, $0x11  }
0xbf: {  	s0 =	sor.u32 s1, s0  }
0xc0: {  	s0 =	sadd.s32 $0x8F2B, s0  }
0xc1: {  	[sflag:s0] =	ssyncadd.remote.s32 $0x1  }
0xc2: {  	_ =	sfence.sel $0xFFFF  }
0xc3: {  	[dreg:$0x0] =	wrdreg $0xFFFFFFFF;
	(pc) =	sbr.abs _section_cstart, $3  }
0xc4: {  	[dreg:$0x1] =	wrdreg $0xFFFFFFFF  }
0xc5: {  	_ =	task.clear_ibuf [dreg:s8], $0x2FFFF;
	_ =	strace $0x9FFFFFFF  }
0xc6: {  	(tm) =	ssettm $0x7FFFFFFF  }
0xc7: {  	_ =	shalt  }
tec
execute0_lowered:
.L_overlay_start_1:
0x0: {  	(tag) =	ssettag $0x1  }
0x1: {  	s1 =	rddreg [dreg:$0x0]  }
0x2: {  	s0 =	rddreg [dreg:$0x1]  }
0x3: {  	s2 =	rddreg [dreg:$0x2]  }
0x4: {  	s3 =	rddreg [dreg:$0x3]  }
0x5: {  	s4 =	rddreg [dreg:$0x4];
	s6 =	srdreg.scid  }
0x6: {  	s14 =	stileid.u32;
	s5 =	simm.s32 $0x0;
	s28 =	simm.s32 $0x200  }
0x7: {  	s29 =	simm.s32 $0x180;
	s30 =	simm.s32 $0x4200;
	s31 =	simm.s32 $0x1  }
0x8: {  	s6 =	sand.u32 $0x1, s6;
	s7 =	smul.u32 $0x13C00, s14;
	[smem:$0x7FF] =	sst s5  }
0x9: {  	s9 =	sadd.s32 $0x1600, s2;
	s11 =	smul.u32 $0x2780, s14;
	s10 =	sadd.s32 $0xBE00, s2  }
0xa: {  	s12 =	sadd.s32 $0xB800, s2;
	s16 =	sadd.s32 $0xB600, s2;
	s17 =	sshll.u32 s14, $0x1  }
0xb: {  	s21 =	smul.u32 $0x5000, s14;
	_ =	strace $0x80000047;
	[dreg:$0x6] =	wrdreg s10  }
0xc: {  	s19 =	sshll.u32 s14, $0x6;
	s8 =	smul.u32 $0x13C000, s6;
	[dreg:$0x7] =	wrdreg s12  }
0xd: {  	s15 =	smul.u32 $0x27800, s6;
	[dreg:$0x8] =	wrdreg s16;
	s13 =	ssub.s32 $0x2, s6  }
0xe: {  	s12 =	sor.u32 s6, s17;
	s6 =	smul.u32 $0x2800, s6;
	s18 =	sshrl.u32 s13, $0x1  }
0xf: {  	s12 =	smul.u32 $0x2800, s12;
	s8 =	sadd.s32 s7, s8;
	s10 =	sadd.s32 s11, s15  }
0x10: {  	s13 =	ssub.s32 s13, s18;
	s7 =	sadd.s32 s7, s3;
	s11 =	sadd.s32 s11, s4  }
0x11: {  	s6 =	sadd.s32 s6, s21;
	s8 =	sshrl.u32 s8, $0x3;
	[dreg:$0x9] =	wrdreg s7  }
0x12: {  	s10 =	sshrl.u32 s10, $0x3;
	s20 =	sshrl.u32 s12, $0x3;
	[dreg:$0xa] =	wrdreg s11  }
0x13: {  	s26 =	sor.u32 $0x180, s6;
	s6 =	sor.u32 $0x100, s6;
	s18 =	smax.u32 s13, $0x1  }
0x14: {  	s8 =	sadd.s32 s8, s2;
	s2 =	sadd.s32 s10, s2;
	s23 =	sadd.s32 s0, s20  }
0x15: {  	s10 =	sor.u32 $0x1C07, s19;
	s7 =	sadd.s32 s9, s20;
	[dreg:$0xb] =	wrdreg s23  }
0x16: {  	s22 =	sor.u32 $0x10, s20;
	s6 =	sshrl.u32 s6, $0x3;
	[dreg:$0xc] =	wrdreg s7  }
0x17: {  	s24 =	sadd.s32 s0, s22;
	s25 =	sadd.s32 s9, s22;
	s16 =	sadd.s32 $0xE600, s8  }
0x18: {  	s17 =	sadd.s32 $0x5D600, s2;
	s2 =	sshrl.u32 s26, $0x3;
	s21 =	sadd.s32 s6, s9  }
0x19: {  	s22 =	sadd.s32 s6, s0;
	s23 =	simm.s32 $0x7;
	s26 =	simm.s32 $0x80  }
0x1a: {  	s6 =	simm.s32 $0x5;
	s7 =	simm.s32 $0x4;
	[dreg:$0xd] =	wrdreg s24  }
0x1b: {  	s8 =	simm.s32 $0x6;
	[dreg:$0xe] =	wrdreg s25;
	s19 =	sadd.s32 s2, s9  }
0x1c: {  	s20 =	sadd.s32 s2, s0;
	s24 =	simm.s32 $0x8200;
	s25 =	simm.s32 $0x100  }
0x1d: {  	s0 =	simm.s32 $0x2;
	s2 =	simm.s32 $0x3;
	s9 =	simm.s32 $0x0  }
.LBB2_1:
0x1e: {  	s11 =	rddreg [dreg:$0x9]  }
0x1f: {  	s12 =	rddreg [dreg:$0x6];
	s11 =	sshrl.u32 s11, $0x3  }
0x20: {  	[spmem:s11], [sflag:s10] =	dma.local [hbm:s12], $0x2780  }
0x21: {  	_ =	swait.ge [sflag:s23], $0x2780  }
0x22: {  	[sflag:s23] =	ssyncset.done $0x0;
	s14 =	rddreg [dreg:$0xa]  }
0x23: {  	s13 =	rddreg [dreg:$0x7];
	[sflag:s23] =	ssyncadd.s32 $0xFFFFD880;
	s12 =	sshrl.u32 s14, $0x3  }
0x24: {  	[spmem:s12], [sflag:s10] =	dma.local [hbm:s13], $0x4F0  }
0x25: {  	_ =	swait.ge [sflag:s23], $0x4F0  }
0x26: {  	[sflag:s23] =	ssyncset.done $0x0  }
0x27: {  	s15 =	rddreg [dreg:$0x8];
	[sflag:s23] =	ssyncadd.s32 $0xFFFFFB10  }
0x28: {  	[tilespmem:s24], [sflag:$0x7] =	stream.linear.gather [hbm4b:s15+s5], $0x800, $0x38;
	[tilespmem:$0x1ED80] =	vst v63  }
0x29: {  	_ =	swait.ge [sflag:s23], $0x800  }
0x2a: {  	[sflag:s23] =	ssyncset.done $0x0  }
0x2b: {  	[sflag:s23] =	ssyncadd.s32 $0xFFFFF800  }
0x2c: {  	[bflag:$0x0] =	sbarrier.arrive $0xFFFF  }
0x2d: {  	s14 =	rddreg [dreg:$0xb]  }
0x2e: {  	[tilespmem:s5], [sflag:$0x7] =	stream.linear.gather [hbm4b:s14+s5], $0x80, $0x38;
	[tilespmem:$0x1ED80] =	vst v63  }
0x2f: {  	_ =	swait.ge [sflag:s23], $0x80  }
0x30: {  	[sflag:s23] =	ssyncset.done $0x0  }
0x31: {  	s15 =	rddreg [dreg:$0xc];
	[sflag:s23] =	ssyncadd.s32 $0xFFFFFF80  }
0x32: {  	[tilespmem:s25], [sflag:$0x7] =	stream.linear.gather [hbm4b:s15+s5], $0x80, $0x38;
	[tilespmem:$0x1ED80] =	vst v63  }
0x33: {  	_ =	swait.ge [sflag:s23], $0x80  }
0x34: {  	[sflag:s23] =	ssyncset.done $0x0  }
0x35: {  	[sflag:s23] =	ssyncadd.s32 $0xFFFFFF80  }
0x36: {  	[tilespmem:s28], [sflag:$0x1] =	stream.indirect.gather [hbm4b:s1+s26], $0x80, s5, s26, $0xb8;
	[tilespmem:$0x1ED80] =	vst v63  }
0x37: {  	s14 =	rddreg [dreg:$0xd]  }
0x38: {  	[tilespmem:s26], [sflag:$0x7] =	stream.linear.gather [hbm4b:s14+s5], $0x80, $0x38;
	[tilespmem:$0x1ED80] =	vst v63  }
0x39: {  	_ =	swait.ge [sflag:s23], $0x80  }
0x3a: {  	[sflag:s23] =	ssyncset.done $0x0  }
0x3b: {  	s15 =	rddreg [dreg:$0xe];
	[sflag:s23] =	ssyncadd.s32 $0xFFFFFF80  }
0x3c: {  	[tilespmem:s29], [sflag:$0x7] =	stream.linear.gather [hbm4b:s15+s5], $0x80, $0x38;
	[tilespmem:$0x1ED80] =	vst v63  }
0x3d: {  	_ =	swait.ge [sflag:s23], $0x80  }
0x3e: {  	[sflag:s23] =	ssyncset.done $0x0  }
0x3f: {  	[sflag:s23] =	ssyncadd.s32 $0xFFFFFF80  }
0x40: {  	[tilespmem:s30], [sflag:$0x2] =	stream.indirect.gather [hbm4b:s1+s26], $0x80, s26, s26, $0xb8;
	[tilespmem:$0x1ED80] =	vst v63  }
0x41: {  	_ =	swait.ge [sflag:s31], $0x4000  }
0x42: {  	[sflag:s31] =	ssyncset.done $0x0  }
0x43: {  	[sflag:s31] =	ssyncadd.s32 $0xFFFFC000  }
0x44: {  	[spmem:s3] =	stream.indirect.scatter.add.f32 [tilespmem:s28], [sflag:$0x3], $0x80, s25, s26, $0xb8;
	[tilespmem:$0x1ED80] =	vst v63  }
0x45: {  	_ = 	snop  }
0x46: {  	[spmem:s4] =	stream.indirect.scatter.add.f32 [tilespmem:s24], [sflag:$0x5], $0x10, s25, s26, $0xb8;
	[tilespmem:$0x1ED80] =	vst v63  }
0x47: {  	_ =	swait.ge [sflag:s0], $0x4000  }
0x48: {  	[sflag:s0] =	ssyncset.done $0x0  }
0x49: {  	[sflag:s0] =	ssyncadd.s32 $0xFFFFC000  }
0x4a: {  	[spmem:s3] =	stream.indirect.scatter.add.f32 [tilespmem:s30], [sflag:$0x4], $0x80, s29, s26, $0xb8;
	[tilespmem:$0x1ED80] =	vst v63  }
0x4b: {  	_ = 	snop  }
0x4c: {  	[spmem:s4] =	stream.indirect.scatter.add.f32 [tilespmem:s24], [sflag:$0x6], $0x10, s29, s26, $0xb8;
	[tilespmem:$0x1ED80] =	vst v63  }
0x4d: {  	_ =	swait.ge [sflag:s2], $0x4000  }
0x4e: {  	[sflag:s2] =	ssyncset.done $0x0  }
0x4f: {  	[sflag:s2] =	ssyncadd.s32 $0xFFFFC000  }
0x50: {  	_ =	swait.ge [sflag:s6], $0x800  }
0x51: {  	[sflag:s6] =	ssyncset.done $0x0  }
0x52: {  	s14 =	sadd.s32 $0x0, s22;
	[sflag:s6] =	ssyncadd.s32 $0xFFFFF800  }
0x53: {  	[tilespmem:s5], [sflag:$0x7] =	stream.linear.gather [hbm4b:s14+s5], $0x80, $0x38;
	[tilespmem:$0x1ED80] =	vst v63  }
0x54: {  	_ =	swait.ge [sflag:s23], $0x80  }
0x55: {  	[sflag:s23] =	ssyncset.done $0x0  }
0x56: {  	s15 =	sadd.s32 $0x0, s21;
	[sflag:s23] =	ssyncadd.s32 $0xFFFFFF80  }
0x57: {  	[tilespmem:s25], [sflag:$0x7] =	stream.linear.gather [hbm4b:s15+s5], $0x80, $0x38;
	[tilespmem:$0x1ED80] =	vst v63  }
0x58: {  	_ =	swait.ge [sflag:s23], $0x80  }
0x59: {  	[sflag:s23] =	ssyncset.done $0x0  }
0x5a: {  	[sflag:s23] =	ssyncadd.s32 $0xFFFFFF80  }
0x5b: {  	[tilespmem:s28], [sflag:$0x1] =	stream.indirect.gather [hbm4b:s1+s26], $0x80, s5, s26, $0xb8;
	[tilespmem:$0x1ED80] =	vst v63  }
0x5c: {  	_ =	swait.ge [sflag:s7], $0x4000  }
0x5d: {  	[sflag:s7] =	ssyncset.done $0x0  }
0x5e: {  	[sflag:s7] =	ssyncadd.s32 $0xFFFFC000  }
0x5f: {  	_ =	swait.ge [sflag:s8], $0x800  }
0x60: {  	[sflag:s8] =	ssyncset.done $0x0  }
0x61: {  	s14 =	sadd.s32 $0x0, s20;
	[sflag:s8] =	ssyncadd.s32 $0xFFFFF800  }
0x62: {  	[tilespmem:s26], [sflag:$0x7] =	stream.linear.gather [hbm4b:s14+s5], $0x80, $0x38;
	[tilespmem:$0x1ED80] =	vst v63  }
0x63: {  	_ =	swait.ge [sflag:s23], $0x80  }
0x64: {  	[sflag:s23] =	ssyncset.done $0x0  }
0x65: {  	s15 =	sadd.s32 $0x0, s19;
	[sflag:s23] =	ssyncadd.s32 $0xFFFFFF80  }
0x66: {  	[tilespmem:s29], [sflag:$0x7] =	stream.linear.gather [hbm4b:s15+s5], $0x80, $0x38;
	[tilespmem:$0x1ED80] =	vst v63  }
0x67: {  	_ =	swait.ge [sflag:s23], $0x80  }
0x68: {  	[sflag:s23] =	ssyncset.done $0x0  }
0x69: {  	[sflag:s23] =	ssyncadd.s32 $0xFFFFFF80  }
0x6a: {  	[tilespmem:s30], [sflag:$0x2] =	stream.indirect.gather [hbm4b:s1+s26], $0x80, s26, s26, $0xb8;
	[tilespmem:$0x1ED80] =	vst v63  }
0x6b: {  	_ =	swait.ge [sflag:s31], $0x4000  }
0x6c: {  	[sflag:s31] =	ssyncset.done $0x0  }
0x6d: {  	[sflag:s31] =	ssyncadd.s32 $0xFFFFC000  }
0x6e: {  	[spmem:s3] =	stream.indirect.scatter.add.f32 [tilespmem:s28], [sflag:$0x3], $0x80, s25, s26, $0xb8;
	[tilespmem:$0x1ED80] =	vst v63  }
0x6f: {  	_ = 	snop  }
0x70: {  	[spmem:s4] =	stream.indirect.scatter.add.f32 [tilespmem:s24], [sflag:$0x5], $0x10, s25, s26, $0xb8;
	[tilespmem:$0x1ED80] =	vst v63  }
0x71: {  	_ =	swait.ge [sflag:s0], $0x4000  }
0x72: {  	[sflag:s0] =	ssyncset.done $0x0  }
0x73: {  	s13 =	simm.s32 $0x20;
	[sflag:s0] =	ssyncadd.s32 $0xFFFFC000  }
0x74: {  	[spmem:s3] =	stream.indirect.scatter.add.f32 [tilespmem:s30], [sflag:$0x4], $0x80, s29, s26, $0xb8;
	[tilespmem:$0x1ED80] =	vst v63  }
.LBB2_2:
0x75: {  	[spmem:s4] =	stream.indirect.scatter.add.f32 [tilespmem:s24], [sflag:$0x6], $0x10, s29, s26, $0xb8;
	[tilespmem:$0x1ED80] =	vst v63  }
0x76: {  	s14 =	smov.u32 s13  }
0x77: {  	p0 =	sne.s32 s13, $0x4C0;
	s13 =	sadd.s32 $0x20, s13;
	_ =	swait.ge [sflag:s2], $0x4000  }
0x78: {  	[sflag:s2] =	ssyncset.done $0x0  }
0x79: {  	[sflag:s2] =	ssyncadd.s32 $0xFFFFC000  }
0x7a: {  	_ =	swait.ge [sflag:s6], $0x800  }
0x7b: {  	[sflag:s6] =	ssyncset.done $0x0  }
0x7c: {  	s15 =	sadd.s32 s14, s22;
	[sflag:s6] =	ssyncadd.s32 $0xFFFFF800  }
0x7d: {  	[tilespmem:s5], [sflag:$0x7] =	stream.linear.gather [hbm4b:s15+s5], $0x80, $0x38;
	[tilespmem:$0x1ED80] =	vst v63  }
0x7e: {  	_ =	swait.ge [sflag:s23], $0x80  }
0x7f: {  	[sflag:s23] =	ssyncset.done $0x0  }
0x80: {  	s15 =	sadd.s32 s14, s21;
	[sflag:s23] =	ssyncadd.s32 $0xFFFFFF80  }
0x81: {  	[tilespmem:s25], [sflag:$0x7] =	stream.linear.gather [hbm4b:s15+s5], $0x80, $0x38;
	[tilespmem:$0x1ED80] =	vst v63  }
0x82: {  	_ =	swait.ge [sflag:s23], $0x80  }
0x83: {  	[sflag:s23] =	ssyncset.done $0x0  }
0x84: {  	[sflag:s23] =	ssyncadd.s32 $0xFFFFFF80  }
0x85: {  	[tilespmem:s28], [sflag:$0x1] =	stream.indirect.gather [hbm4b:s1+s26], $0x80, s5, s26, $0xb8;
	[tilespmem:$0x1ED80] =	vst v63  }
0x86: {  	_ =	swait.ge [sflag:s7], $0x4000  }
0x87: {  	[sflag:s7] =	ssyncset.done $0x0  }
0x88: {  	[sflag:s7] =	ssyncadd.s32 $0xFFFFC000  }
0x89: {  	_ =	swait.ge [sflag:s8], $0x800  }
0x8a: {  	[sflag:s8] =	ssyncset.done $0x0  }
0x8b: {  	s15 =	sadd.s32 s14, s20;
	[sflag:s8] =	ssyncadd.s32 $0xFFFFF800  }
0x8c: {  	[tilespmem:s26], [sflag:$0x7] =	stream.linear.gather [hbm4b:s15+s5], $0x80, $0x38;
	[tilespmem:$0x1ED80] =	vst v63  }
0x8d: {  	_ =	swait.ge [sflag:s23], $0x80  }
0x8e: {  	[sflag:s23] =	ssyncset.done $0x0  }
0x8f: {  	s14 =	sadd.s32 s14, s19;
	[sflag:s23] =	ssyncadd.s32 $0xFFFFFF80  }
0x90: {  	[tilespmem:s29], [sflag:$0x7] =	stream.linear.gather [hbm4b:s14+s5], $0x80, $0x38;
	[tilespmem:$0x1ED80] =	vst v63  }
0x91: {  	_ =	swait.ge [sflag:s23], $0x80  }
0x92: {  	[sflag:s23] =	ssyncset.done $0x0  }
0x93: {  	[sflag:s23] =	ssyncadd.s32 $0xFFFFFF80  }
0x94: {  	[tilespmem:s30], [sflag:$0x2] =	stream.indirect.gather [hbm4b:s1+s26], $0x80, s26, s26, $0xb8;
	[tilespmem:$0x1ED80] =	vst v63  }
0x95: {  	_ =	swait.ge [sflag:s31], $0x4000  }
0x96: {  	[sflag:s31] =	ssyncset.done $0x0  }
0x97: {  	[sflag:s31] =	ssyncadd.s32 $0xFFFFC000  }
0x98: {  	[spmem:s3] =	stream.indirect.scatter.add.f32 [tilespmem:s28], [sflag:$0x3], $0x80, s25, s26, $0xb8;
	[tilespmem:$0x1ED80] =	vst v63  }
0x99: {  	_ = 	snop  }
0x9a: {  	[spmem:s4] =	stream.indirect.scatter.add.f32 [tilespmem:s24], [sflag:$0x5], $0x10, s25, s26, $0xb8;
	[tilespmem:$0x1ED80] =	vst v63  }
.Ltmp0:
0x9b: {  	_ = 	snop;
	(pc) =	sbr.rel @p0 .LBB2_2-.Ltmp0, $4  }
0x9c: {  	_ =	swait.ge [sflag:s0], $0x4000  }
0x9d: {  	[sflag:s0] =	ssyncset.done $0x0  }
0x9e: {  	[sflag:s0] =	ssyncadd.s32 $0xFFFFC000  }
0x9f: {  	[spmem:s3] =	stream.indirect.scatter.add.f32 [tilespmem:s30], [sflag:$0x4], $0x80, s29, s26, $0xb8;
	[tilespmem:$0x1ED80] =	vst v63  }
0xa0: {  	[spmem:s4] =	stream.indirect.scatter.add.f32 [tilespmem:s24], [sflag:$0x6], $0x10, s29, s26, $0xb8;
	[tilespmem:$0x1ED80] =	vst v63  }
0xa1: {  	_ =	swait.ge [sflag:s2], $0x4000  }
0xa2: {  	[sflag:s2] =	ssyncset.done $0x0  }
0xa3: {  	[sflag:s2] =	ssyncadd.s32 $0xFFFFC000  }
0xa4: {  	_ =	swait.ge [sflag:s6], $0x800  }
0xa5: {  	[sflag:s6] =	ssyncset.done $0x0  }
0xa6: {  	[sflag:s6] =	ssyncadd.s32 $0xFFFFF800  }
0xa7: {  	_ =	swait.ge [sflag:s7], $0x4000  }
0xa8: {  	[sflag:s7] =	ssyncset.done $0x0  }
0xa9: {  	[sflag:s7] =	ssyncadd.s32 $0xFFFFC000  }
0xaa: {  	_ =	swait.ge [sflag:s8], $0x800  }
0xab: {  	[sflag:s8] =	ssyncset.done $0x0  }
0xac: {  	[sflag:s8] =	ssyncadd.s32 $0xFFFFF800  }
0xad: {  	[bflag:$0x0] =	sbarrier.arrive $0xFFFF  }
0xae: {  	[hbm:s16], [sflag:s10] =	dma.local [spmem:s11], $0x2780  }
0xaf: {  	s9 =	sadd.s32 $0x1, s9;
	_ =	swait.ge [sflag:s23], $0x2780  }
0xb0: {  	p0 =	sne.s32 s9, s18;
	[sflag:s23] =	ssyncset.done $0x0  }
.Ltmp1:
0xb1: {  	[sflag:s23] =	ssyncadd.s32 $0xFFFFD880;
	(pc) =	sbr.rel @p0 .LBB2_1-.Ltmp1, $4  }
0xb2: {  	[hbm:s17], [sflag:s10] =	dma.local [spmem:s12], $0x4F0  }
0xb3: {  	_ =	swait.ge [sflag:s23], $0x4F0  }
0xb4: {  	[sflag:s23] =	ssyncset.done $0x0  }
0xb5: {  	[sflag:s23] =	ssyncadd.s32 $0xFFFFFB10  }
0xb6: {  	_ =	sfence.sel $0x180000  }
0xb7: {  	[bflag:$0x0] =	sbarrier.arrive $0xFFFF  }
0xb8: {  	_ =	strace $0x90000047  }
0xb9: {  	s0 =	stileid.u32;
	[bflag:$0x2] =	sbarrier.arrive $0xFFFF  }
0xba: {  	p0 =	sne.s32 s0, $0x0;
	s0 =	rddreg [dreg:$0x5]  }
0xbb: {  	s0 =	sadd.s32 @!p0 $0x100000, s0  }
0xbc: {  	[sflag:s0] =	ssyncadd.tile.s32 @!p0 $0x1;
	_ =	shalt  }
.Lfunc_end2:
_tile_overlayer_lowered:
.L_overlay_start_2:
0xbd: {  	(tag) =	ssettag $0x2  }
0xbe: {  	s0 =	rddreg [dreg:$0x0];
	s2 =	stileid.u32  }
0xbf: {  	s1 =	rddreg [dreg:$0x1];
	p0 =	sne.s32 s2, $0x0  }
0xc0: {  	s3 =	rddreg [dreg:$0x2];
	[bflag:$0x3] =	sbarrier.arrive $0xFFFF;
	s2 =	simm.s32 @!p0 $0x1C07  }
0xc1: {  	[timem:s3], [sflag:s2] =	dma.local @!p0 [hbm:s0], s1  }
0xc2: {  	s0 =	simm.s32 @!p0 $0x7  }
0xc3: {  	_ =	swait.ge @!p0 [sflag:s0], s1  }
0xc4: {  	s1 =	ssub.s32 @!p0 $0x0, s1;
	[sflag:s0] =	ssyncset.done @!p0 $0x0  }
0xc5: {  	[sflag:s0] =	ssyncadd.s32 @!p0 s1  }
0xc6: {  	[bflag:$0x3] =	sbarrier.arrive $0xFFFF  }
0xc7: {  	_ =	shalt  }

</sc_bundles>
